<compile_context>
chip_gen: v7x
topology: tpu7x:2x2x1
jax: 0.10.2.dev20260603
libtpu: 0.0.44.dev20260713+nightly
codegen_flags: <defaults>
</compile_context>

<pallas_src>
import functools

import jax
import jax.numpy as jnp
from jax import lax
from jax.experimental import pallas as pl
from jax.experimental.pallas import tpu as pltpu
from jax.experimental.pallas import tpu_sc as plsc

_NC = 2
_NS = 16
_NW = _NC * _NS
_LANES = 16
_K = 16


@functools.lru_cache(maxsize=None)
def _pe_add_kernel(B, S, D):
    assert B == 4 and S % (_NW * _K * 2) == 0 and D % _LANES == 0
    rows_per_w = S // _NW
    n_chunks = rows_per_w // _K
    n_pairs = n_chunks // 2

    mesh = plsc.VectorSubcoreMesh(
        core_axis_name="c", subcore_axis_name="s",
        num_cores=_NC, num_subcores=_NS,
    )

    def body(src_hbm, pos_hbm, out_hbm,
             a0, a1, a2, a3, p0, p1,
             in_s0, in_s1, in_s2, in_s3,
             out_s0, out_s1, out_s2, out_s3,
             pos_s0, pos_s1):
        a_bufs = (a0, a1, a2, a3)
        p_bufs = (p0, p1)
        in_sems = (in_s0, in_s1, in_s2, in_s3)
        out_sems = (out_s0, out_s1, out_s2, out_s3)
        pos_sems = (pos_s0, pos_s1)

        wid = lax.axis_index("s") * _NC + lax.axis_index("c")
        row_base = wid * rows_per_w

        def pos_dma(c, j):
            return pltpu.make_async_copy(
                pos_hbm.at[pl.ds(row_base + c * _K, _K), :],
                p_bufs[j], pos_sems[j])

        def src_dma(c, b, i):
            return pltpu.make_async_copy(
                src_hbm.at[pl.ds(b * S + row_base + c * _K, _K), :],
                a_bufs[i], in_sems[i])

        def out_dma(c, b, i):
            return pltpu.make_async_copy(
                a_bufs[i],
                out_hbm.at[pl.ds(b * S + row_base + c * _K, _K), :],
                out_sems[i])

        def add_chunk(i, j):
            a_ref = a_bufs[i]
            p_ref = p_bufs[j]

            @plsc.parallel_loop(0, _K * 32, 1)
            def _(u):
                r = u >> 5
                c0 = (u & 31) * (_LANES * 2)
                for q in range(2):
                    sl = pl.ds(c0 + q * _LANES, _LANES)
                    plsc.addupdate(a_ref.at[r, sl], p_ref[r, sl])

        pos_dma(0, 0).start()
        src_dma(0, 0, 0).start()
        src_dma(0, 1, 1).start()

        def pair_body(m, carry):
            c0 = 2 * m
            for t in range(8):
                c = c0 + (1 if t >= 4 else 0)
                b = t % 4
                i = t % 4
                j = 1 if t >= 4 else 0

                if t == 0:
                    pos_dma(c0 + 1, 1).start()
                    pos_dma(c, j).wait()
                elif t == 4:
                    @pl.when(m < n_pairs - 1)
                    def _():
                        pos_dma(c0 + 2, 0).start()
                    pos_dma(c, j).wait()

                ct = c0 + (t + 2) // 4
                bt = (t + 2) % 4
                it = (t + 2) % 4
                if t < 2:
                    @pl.when(m > 0)
                    def _():
                        out_dma(0, 0, it).wait()
                    src_dma(ct, bt, it).start()
                elif t < 6:
                    out_dma(0, 0, it).wait()
                    src_dma(ct, bt, it).start()
                else:
                    @pl.when(m < n_pairs - 1)
                    def _():
                        out_dma(0, 0, it).wait()
                        src_dma(ct, bt, it).start()

                src_dma(c, b, i).wait()
                add_chunk(i, j)
                out_dma(c, b, i).start()
            return carry

        lax.fori_loop(0, n_pairs, pair_body, 0)

        out_dma(0, 0, 2).wait()
        out_dma(0, 0, 3).wait()

    return pl.kernel(
        body,
        out_type=jax.ShapeDtypeStruct((B * S, D), jnp.float32),
        mesh=mesh,
        scratch_types=(
            [pltpu.VMEM((_K, D), jnp.float32) for _ in range(4)]
            + [pltpu.VMEM((_K, D), jnp.float32) for _ in range(2)]
            + [pltpu.SemaphoreType.DMA for _ in range(10)]
        ),
    )


@jax.jit
def kernel(src, pos_embedding):
    B, S, D = src.shape
    flat = _pe_add_kernel(B, S, D)(src.reshape(B * S, D), pos_embedding[:S])
    return flat.reshape(B, S, D)

# --- scband reference (transcript-rebuilt; emitter-appended) ---
"""Pipeline reference for scband-positional-encoding-8469675507772 (READ-ONLY COPY).

The authoritative reference and input builder live on the scoring server;
editing this copy changes nothing except your own understanding.
"""

import jax, jax.numpy as jnp
import numpy as np

MAX_LENGTH = 8192
VECTOR_SIZE = 1024
BATCH = 4
SEQ = 8192


def setup_inputs(seed: int = 0) -> dict:
    key = jax.random.key(seed)
    k1, k2 = jax.random.split(key)
    src = jax.random.normal(k1, (BATCH, SEQ, VECTOR_SIZE), dtype=jnp.float32)
    # nn.Embedding default init: N(0, 1)
    pos_embedding = jax.random.normal(k2, (MAX_LENGTH, VECTOR_SIZE), dtype=jnp.float32)
    return {"src": src, "pos_embedding": pos_embedding}


def reference(src, pos_embedding):
    batch_size = src.shape[0]
    src_len = src.shape[1]
    # pos = arange(0, src_len).unsqueeze(0).repeat(batch_size, 1)
    pos = jnp.tile(jnp.arange(0, src_len)[None, :], (batch_size, 1))  # [B, S]
    pe = jnp.take(pos_embedding, pos, axis=0)  # [B, S, D] gather
    return src + pe

if __name__ == "__main__":
    import jax
    _d = setup_inputs()
    print(jax.jit(kernel)(*tuple(_d.values())))

</pallas_src>

<mosaic_0001>
#map = affine_map<(d0, d1) -> (0, 0)>
module attributes {stable_mosaic.version = 14 : i64} {
  func.func @body(%arg0: i32, %arg1: i32, %arg2: memref<32768x1024xf32, #tpu.memory_space<hbm>>, %arg3: memref<8192x1024xf32, #tpu.memory_space<hbm>>, %arg4: memref<32768x1024xf32, #tpu.memory_space<hbm>>, %arg5: memref<16x1024xf32, #tpu.memory_space<vmem>>, %arg6: memref<16x1024xf32, #tpu.memory_space<vmem>>, %arg7: memref<16x1024xf32, #tpu.memory_space<vmem>>, %arg8: memref<16x1024xf32, #tpu.memory_space<vmem>>, %arg9: memref<16x1024xf32, #tpu.memory_space<vmem>>, %arg10: memref<16x1024xf32, #tpu.memory_space<vmem>>, %arg11: memref<!tpu.dma_semaphore, #tpu.memory_space<semaphore_mem>>, %arg12: memref<!tpu.dma_semaphore, #tpu.memory_space<semaphore_mem>>, %arg13: memref<!tpu.dma_semaphore, #tpu.memory_space<semaphore_mem>>, %arg14: memref<!tpu.dma_semaphore, #tpu.memory_space<semaphore_mem>>, %arg15: memref<!tpu.dma_semaphore, #tpu.memory_space<semaphore_mem>>, %arg16: memref<!tpu.dma_semaphore, #tpu.memory_space<semaphore_mem>>, %arg17: memref<!tpu.dma_semaphore, #tpu.memory_space<semaphore_mem>>, %arg18: memref<!tpu.dma_semaphore, #tpu.memory_space<semaphore_mem>>, %arg19: memref<!tpu.dma_semaphore, #tpu.memory_space<semaphore_mem>>, %arg20: memref<!tpu.dma_semaphore, #tpu.memory_space<semaphore_mem>>) attributes {dimension_semantics = [#tpu.dimension_semantics<core_parallel>, #tpu.dimension_semantics<subcore_parallel>], iteration_bounds = array<i64: 2, 16>, scalar_prefetch = 0 : i64, scratch_operands = 16 : i64, tpu.core_type = #tpu.core_type<sc_vector_subcore>, window_params = [{transform_indices = #map}, {transform_indices = #map}, {transform_indices = #map}]} {
    %mul3A = arith.constant 2 : i32
    %mul3A_0 = arith.muli %arg1, %mul3A : i32
    %add3A = arith.addi %mul3A_0, %arg0 : i32
    %mul3A_1 = arith.constant 256 : i32
    %mul3A_2 = arith.muli %add3A, %mul3A_1 : i32
    %add3A_3 = arith.constant 0 : i32
    %add3A_4 = arith.addi %mul3A_2, %add3A_3 : i32
    %dma_start3A = arith.constant 0 : i32
    %dma_start3A_5 = tpu.memref_slice %arg3[%add3A_4, %dma_start3A] : memref<8192x1024xf32, #tpu.memory_space<hbm>> -> memref<16x1024xf32, #tpu.memory_space<hbm>>
    %dma_start3A_6 = arith.constant 0 : i32
    %dma_start3A_7 = tpu.memref_slice %arg3[%add3A_4, %dma_start3A_6] : memref<8192x1024xf32, #tpu.memory_space<hbm>> -> memref<16x1024xf32, #tpu.memory_space<hbm>>
    tpu.enqueue_dma source(%dma_start3A_7 : memref<16x1024xf32, #tpu.memory_space<hbm>>) target(%arg9 : memref<16x1024xf32, #tpu.memory_space<vmem>>) target_semaphore(%arg19 : memref<!tpu.dma_semaphore, #tpu.memory_space<semaphore_mem>>)
    %add3A_8 = arith.constant 0 : i32
    %add3A_9 = arith.addi %add3A_8, %mul3A_2 : i32
    %add3A_10 = arith.constant 0 : i32
    %add3A_11 = arith.addi %add3A_9, %add3A_10 : i32
    %dma_start3A_12 = arith.constant 0 : i32
    %dma_start3A_13 = tpu.memref_slice %arg2[%add3A_11, %dma_start3A_12] : memref<32768x1024xf32, #tpu.memory_space<hbm>> -> memref<16x1024xf32, #tpu.memory_space<hbm>>
    %dma_start3A_14 = arith.constant 0 : i32
    %dma_start3A_15 = tpu.memref_slice %arg2[%add3A_11, %dma_start3A_14] : memref<32768x1024xf32, #tpu.memory_space<hbm>> -> memref<16x1024xf32, #tpu.memory_space<hbm>>
    tpu.enqueue_dma source(%dma_start3A_15 : memref<16x1024xf32, #tpu.memory_space<hbm>>) target(%arg5 : memref<16x1024xf32, #tpu.memory_space<vmem>>) target_semaphore(%arg11 : memref<!tpu.dma_semaphore, #tpu.memory_space<semaphore_mem>>)
    %add3A_16 = arith.constant 8192 : i32
    %add3A_17 = arith.addi %add3A_16, %mul3A_2 : i32
    %add3A_18 = arith.constant 0 : i32
    %add3A_19 = arith.addi %add3A_17, %add3A_18 : i32
    %dma_start3A_20 = arith.constant 0 : i32
    %dma_start3A_21 = tpu.memref_slice %arg2[%add3A_19, %dma_start3A_20] : memref<32768x1024xf32, #tpu.memory_space<hbm>> -> memref<16x1024xf32, #tpu.memory_space<hbm>>
    %dma_start3A_22 = arith.constant 0 : i32
    %dma_start3A_23 = tpu.memref_slice %arg2[%add3A_19, %dma_start3A_22] : memref<32768x1024xf32, #tpu.memory_space<hbm>> -> memref<16x1024xf32, #tpu.memory_space<hbm>>
    tpu.enqueue_dma source(%dma_start3A_23 : memref<16x1024xf32, #tpu.memory_space<hbm>>) target(%arg6 : memref<16x1024xf32, #tpu.memory_space<vmem>>) target_semaphore(%arg12 : memref<!tpu.dma_semaphore, #tpu.memory_space<semaphore_mem>>)
    %scan3A = arith.constant 0 : i32
    %scan3A_24 = arith.constant 0 : i32
    %scan3A_25 = arith.constant 8 : i32
    %scan3A_26 = arith.addi %scan3A_24, %scan3A_25 : i32
    %scan3A_27 = arith.constant 1 : i32
    scf.for %scan3A_44 = %scan3A_24 to %scan3A_26 step %scan3A_27  : i32 {
      %mul3A_45 = arith.constant 2 : i32
      %mul3A_46 = arith.muli %mul3A_45, %scan3A_44 : i32
      %add3A_47 = arith.constant 0 : i32
      %add3A_48 = arith.addi %mul3A_46, %add3A_47 : i32
      %add3A_49 = arith.constant 1 : i32
      %add3A_50 = arith.addi %mul3A_46, %add3A_49 : i32
      %mul3A_51 = arith.constant 16 : i32
      %mul3A_52 = arith.muli %add3A_50, %mul3A_51 : i32
      %add3A_53 = arith.addi %mul3A_2, %mul3A_52 : i32
      %dma_start3A_54 = arith.constant 0 : i32
      %dma_start3A_55 = tpu.memref_slice %arg3[%add3A_53, %dma_start3A_54] : memref<8192x1024xf32, #tpu.memory_space<hbm>> -> memref<16x1024xf32, #tpu.memory_space<hbm>>
      %dma_start3A_56 = arith.constant 0 : i32
      %dma_start3A_57 = tpu.memref_slice %arg3[%add3A_53, %dma_start3A_56] : memref<8192x1024xf32, #tpu.memory_space<hbm>> -> memref<16x1024xf32, #tpu.memory_space<hbm>>
      tpu.enqueue_dma source(%dma_start3A_57 : memref<16x1024xf32, #tpu.memory_space<hbm>>) target(%arg10 : memref<16x1024xf32, #tpu.memory_space<vmem>>) target_semaphore(%arg20 : memref<!tpu.dma_semaphore, #tpu.memory_space<semaphore_mem>>)
      %mul3A_58 = arith.constant 16 : i32
      %mul3A_59 = arith.muli %add3A_48, %mul3A_58 : i32
      %add3A_60 = arith.addi %mul3A_2, %mul3A_59 : i32
      %dma_wait3A_61 = arith.constant 0 : i32
      %dma_wait3A_62 = tpu.memref_slice %arg3[%add3A_60, %dma_wait3A_61] : memref<8192x1024xf32, #tpu.memory_space<hbm>> -> memref<16x1024xf32, #tpu.memory_space<hbm>>
      %dma_wait3A_63 = arith.constant 0 : i32
      %dma_wait3A_64 = tpu.memref_slice %arg3[%add3A_60, %dma_wait3A_63] : memref<8192x1024xf32, #tpu.memory_space<hbm>> -> memref<16x1024xf32, #tpu.memory_space<hbm>>
      tpu.wait_dma2 semaphore(%arg19 : memref<!tpu.dma_semaphore, #tpu.memory_space<semaphore_mem>>) src(%dma_wait3A_64 : memref<16x1024xf32, #tpu.memory_space<hbm>>) dst(%arg9 : memref<16x1024xf32, #tpu.memory_space<vmem>>)
      %add3A_65 = arith.constant 0 : i32
      %add3A_66 = arith.addi %mul3A_46, %add3A_65 : i32
      %gt3A = arith.constant 0 : i32
      %gt3A_67 = arith.cmpi sgt, %scan3A_44, %gt3A : i32
      %convert_element_type3A = arith.extui %gt3A_67 : i1 to i32
      %cond3A = arith.constant 0 : i32
      %cond3A_68 = arith.cmpi ne, %convert_element_type3A, %cond3A : i32
      scf.if %cond3A_68 {
        %add3A_376 = arith.constant 0 : i32
        %add3A_377 = arith.addi %add3A_376, %mul3A_2 : i32
        %add3A_378 = arith.constant 0 : i32
        %add3A_379 = arith.addi %add3A_377, %add3A_378 : i32
        %dma_wait3A_380 = arith.constant 0 : i32
        %dma_wait3A_381 = tpu.memref_slice %arg4[%add3A_379, %dma_wait3A_380] : memref<32768x1024xf32, #tpu.memory_space<hbm>> -> memref<16x1024xf32, #tpu.memory_space<hbm>>
        %dma_wait3A_382 = arith.constant 0 : i32
        %dma_wait3A_383 = tpu.memref_slice %arg4[%add3A_379, %dma_wait3A_382] : memref<32768x1024xf32, #tpu.memory_space<hbm>> -> memref<16x1024xf32, #tpu.memory_space<hbm>>
        tpu.wait_dma2 semaphore(%arg17 : memref<!tpu.dma_semaphore, #tpu.memory_space<semaphore_mem>>) src(%arg7 : memref<16x1024xf32, #tpu.memory_space<vmem>>) dst(%dma_wait3A_383 : memref<16x1024xf32, #tpu.memory_space<hbm>>)
      } else {
      }
      %add3A_69 = arith.constant 16384 : i32
      %add3A_70 = arith.addi %add3A_69, %mul3A_2 : i32
      %mul3A_71 = arith.constant 16 : i32
      %mul3A_72 = arith.muli %add3A_66, %mul3A_71 : i32
      %add3A_73 = arith.addi %add3A_70, %mul3A_72 : i32
      %dma_start3A_74 = arith.constant 0 : i32
      %dma_start3A_75 = tpu.memref_slice %arg2[%add3A_73, %dma_start3A_74] : memref<32768x1024xf32, #tpu.memory_space<hbm>> -> memref<16x1024xf32, #tpu.memory_space<hbm>>
      %dma_start3A_76 = arith.constant 0 : i32
      %dma_start3A_77 = tpu.memref_slice %arg2[%add3A_73, %dma_start3A_76] : memref<32768x1024xf32, #tpu.memory_space<hbm>> -> memref<16x1024xf32, #tpu.memory_space<hbm>>
      tpu.enqueue_dma source(%dma_start3A_77 : memref<16x1024xf32, #tpu.memory_space<hbm>>) target(%arg7 : memref<16x1024xf32, #tpu.memory_space<vmem>>) target_semaphore(%arg13 : memref<!tpu.dma_semaphore, #tpu.memory_space<semaphore_mem>>)
      %add3A_78 = arith.constant 0 : i32
      %add3A_79 = arith.addi %add3A_78, %mul3A_2 : i32
      %mul3A_80 = arith.constant 16 : i32
      %mul3A_81 = arith.muli %add3A_48, %mul3A_80 : i32
      %add3A_82 = arith.addi %add3A_79, %mul3A_81 : i32
      %dma_wait3A_83 = arith.constant 0 : i32
      %dma_wait3A_84 = tpu.memref_slice %arg2[%add3A_82, %dma_wait3A_83] : memref<32768x1024xf32, #tpu.memory_space<hbm>> -> memref<16x1024xf32, #tpu.memory_space<hbm>>
      %dma_wait3A_85 = arith.constant 0 : i32
      %dma_wait3A_86 = tpu.memref_slice %arg2[%add3A_82, %dma_wait3A_85] : memref<32768x1024xf32, #tpu.memory_space<hbm>> -> memref<16x1024xf32, #tpu.memory_space<hbm>>
      tpu.wait_dma2 semaphore(%arg11 : memref<!tpu.dma_semaphore, #tpu.memory_space<semaphore_mem>>) src(%dma_wait3A_86 : memref<16x1024xf32, #tpu.memory_space<hbm>>) dst(%arg5 : memref<16x1024xf32, #tpu.memory_space<vmem>>)
      %parallel_loop3A = arith.constant 0 : i32
      %parallel_loop3A_87 = arith.constant 512 : i32
      %parallel_loop3A_88 = arith.constant 1 : i32
      scf.for %parallel_loop3A_376 = %parallel_loop3A to %parallel_loop3A_87 step %parallel_loop3A_88  : i32 {
        %parallel_loop3A_377 = arith.constant 5 : i32
        %parallel_loop3A_378 = arith.shrsi %parallel_loop3A_376, %parallel_loop3A_377 : i32
        %parallel_loop3A_379 = arith.constant 31 : i32
        %parallel_loop3A_380 = arith.andi %parallel_loop3A_376, %parallel_loop3A_379 : i32
        %parallel_loop3A_381 = arith.constant 32 : i32
        %parallel_loop3A_382 = arith.muli %parallel_loop3A_380, %parallel_loop3A_381 : i32
        %parallel_loop3A_383 = arith.constant 0 : i32
        %parallel_loop3A_384 = arith.addi %parallel_loop3A_382, %parallel_loop3A_383 : i32
        %parallel_loop3A_385 = arith.index_cast %parallel_loop3A_378 : i32 to index
        %parallel_loop3A_386 = arith.index_cast %parallel_loop3A_384 : i32 to index
        %parallel_loop3A_387 = tpu.vector_load %arg9[%parallel_loop3A_385, %parallel_loop3A_386] {strides = array<i32>} : memref<16x1024xf32, #tpu.memory_space<vmem>>, vector<1x16xf32>,
        %parallel_loop3A_388 = vector.shape_cast %parallel_loop3A_387 : vector<1x16xf32> to vector<16xf32>
        %parallel_loop3A_389 = arith.index_cast %parallel_loop3A_378 : i32 to index
        %parallel_loop3A_390 = arith.index_cast %parallel_loop3A_384 : i32 to index
        %parallel_loop3A_391 = tpu.vector_load %arg5[%parallel_loop3A_389, %parallel_loop3A_390] {strides = array<i32>} : memref<16x1024xf32, #tpu.memory_space<vmem>>, vector<1x16xf32>,
        %parallel_loop3A_392 = vector.shape_cast %parallel_loop3A_391 : vector<1x16xf32> to vector<16xf32>
        %parallel_loop3A_393 = vector.shape_cast %parallel_loop3A_388 : vector<16xf32> to vector<1x16xf32>
        tpu.vector_store %arg5[%parallel_loop3A_389, %parallel_loop3A_390], %parallel_loop3A_393 {add = true, strides = array<i32>} : memref<16x1024xf32, #tpu.memory_space<vmem>>, vector<1x16xf32>,
        %parallel_loop3A_394 = arith.constant 16 : i32
        %parallel_loop3A_395 = arith.addi %parallel_loop3A_382, %parallel_loop3A_394 : i32
        %parallel_loop3A_396 = arith.index_cast %parallel_loop3A_378 : i32 to index
        %parallel_loop3A_397 = arith.index_cast %parallel_loop3A_395 : i32 to index
        %parallel_loop3A_398 = tpu.vector_load %arg9[%parallel_loop3A_396, %parallel_loop3A_397] {strides = array<i32>} : memref<16x1024xf32, #tpu.memory_space<vmem>>, vector<1x16xf32>,
        %parallel_loop3A_399 = vector.shape_cast %parallel_loop3A_398 : vector<1x16xf32> to vector<16xf32>
        %parallel_loop3A_400 = arith.index_cast %parallel_loop3A_378 : i32 to index
        %parallel_loop3A_401 = arith.index_cast %parallel_loop3A_395 : i32 to index
        %parallel_loop3A_402 = tpu.vector_load %arg5[%parallel_loop3A_400, %parallel_loop3A_401] {strides = array<i32>} : memref<16x1024xf32, #tpu.memory_space<vmem>>, vector<1x16xf32>,
        %parallel_loop3A_403 = vector.shape_cast %parallel_loop3A_402 : vector<1x16xf32> to vector<16xf32>
        %parallel_loop3A_404 = vector.shape_cast %parallel_loop3A_399 : vector<16xf32> to vector<1x16xf32>
        tpu.vector_store %arg5[%parallel_loop3A_400, %parallel_loop3A_401], %parallel_loop3A_404 {add = true, strides = array<i32>} : memref<16x1024xf32, #tpu.memory_space<vmem>>, vector<1x16xf32>,
      } {sc.loop_unroll_factor = 1 : i64, sc.parallel_access}
      %add3A_89 = arith.constant 0 : i32
      %add3A_90 = arith.addi %add3A_89, %mul3A_2 : i32
      %mul3A_91 = arith.constant 16 : i32
      %mul3A_92 = arith.muli %add3A_48, %mul3A_91 : i32
      %add3A_93 = arith.addi %add3A_90, %mul3A_92 : i32
      %dma_start3A_94 = arith.constant 0 : i32
      %dma_start3A_95 = tpu.memref_slice %arg4[%add3A_93, %dma_start3A_94] : memref<32768x1024xf32, #tpu.memory_space<hbm>> -> memref<16x1024xf32, #tpu.memory_space<hbm>>
      %dma_start3A_96 = arith.constant 0 : i32
      %dma_start3A_97 = tpu.memref_slice %arg4[%add3A_93, %dma_start3A_96] : memref<32768x1024xf32, #tpu.memory_space<hbm>> -> memref<16x1024xf32, #tpu.memory_space<hbm>>
      tpu.enqueue_dma source(%arg5 : memref<16x1024xf32, #tpu.memory_space<vmem>>) target(%dma_start3A_97 : memref<16x1024xf32, #tpu.memory_space<hbm>>) target_semaphore(%arg15 : memref<!tpu.dma_semaphore, #tpu.memory_space<semaphore_mem>>)
      %add3A_98 = arith.constant 0 : i32
      %add3A_99 = arith.addi %mul3A_46, %add3A_98 : i32
      %add3A_100 = arith.constant 0 : i32
      %add3A_101 = arith.addi %mul3A_46, %add3A_100 : i32
      %gt3A_102 = arith.constant 0 : i32
      %gt3A_103 = arith.cmpi sgt, %scan3A_44, %gt3A_102 : i32
      %convert_element_type3A_104 = arith.extui %gt3A_103 : i1 to i32
      %cond3A_105 = arith.constant 0 : i32
      %cond3A_106 = arith.cmpi ne, %convert_element_type3A_104, %cond3A_105 : i32
      scf.if %cond3A_106 {
        %add3A_376 = arith.constant 0 : i32
        %add3A_377 = arith.addi %add3A_376, %mul3A_2 : i32
        %add3A_378 = arith.constant 0 : i32
        %add3A_379 = arith.addi %add3A_377, %add3A_378 : i32
        %dma_wait3A_380 = arith.constant 0 : i32
        %dma_wait3A_381 = tpu.memref_slice %arg4[%add3A_379, %dma_wait3A_380] : memref<32768x1024xf32, #tpu.memory_space<hbm>> -> memref<16x1024xf32, #tpu.memory_space<hbm>>
        %dma_wait3A_382 = arith.constant 0 : i32
        %dma_wait3A_383 = tpu.memref_slice %arg4[%add3A_379, %dma_wait3A_382] : memref<32768x1024xf32, #tpu.memory_space<hbm>> -> memref<16x1024xf32, #tpu.memory_space<hbm>>
        tpu.wait_dma2 semaphore(%arg18 : memref<!tpu.dma_semaphore, #tpu.memory_space<semaphore_mem>>) src(%arg8 : memref<16x1024xf32, #tpu.memory_space<vmem>>) dst(%dma_wait3A_383 : memref<16x1024xf32, #tpu.memory_space<hbm>>)
      } else {
      }
      %add3A_107 = arith.constant 24576 : i32
      %add3A_108 = arith.addi %add3A_107, %mul3A_2 : i32
      %mul3A_109 = arith.constant 16 : i32
      %mul3A_110 = arith.muli %add3A_101, %mul3A_109 : i32
      %add3A_111 = arith.addi %add3A_108, %mul3A_110 : i32
      %dma_start3A_112 = arith.constant 0 : i32
      %dma_start3A_113 = tpu.memref_slice %arg2[%add3A_111, %dma_start3A_112] : memref<32768x1024xf32, #tpu.memory_space<hbm>> -> memref<16x1024xf32, #tpu.memory_space<hbm>>
      %dma_start3A_114 = arith.constant 0 : i32
      %dma_start3A_115 = tpu.memref_slice %arg2[%add3A_111, %dma_start3A_114] : memref<32768x1024xf32, #tpu.memory_space<hbm>> -> memref<16x1024xf32, #tpu.memory_space<hbm>>
      tpu.enqueue_dma source(%dma_start3A_115 : memref<16x1024xf32, #tpu.memory_space<hbm>>) target(%arg8 : memref<16x1024xf32, #tpu.memory_space<vmem>>) target_semaphore(%arg14 : memref<!tpu.dma_semaphore, #tpu.memory_space<semaphore_mem>>)
      %add3A_116 = arith.constant 8192 : i32
      %add3A_117 = arith.addi %add3A_116, %mul3A_2 : i32
      %mul3A_118 = arith.constant 16 : i32
      %mul3A_119 = arith.muli %add3A_99, %mul3A_118 : i32
      %add3A_120 = arith.addi %add3A_117, %mul3A_119 : i32
      %dma_wait3A_121 = arith.constant 0 : i32
      %dma_wait3A_122 = tpu.memref_slice %arg2[%add3A_120, %dma_wait3A_121] : memref<32768x1024xf32, #tpu.memory_space<hbm>> -> memref<16x1024xf32, #tpu.memory_space<hbm>>
      %dma_wait3A_123 = arith.constant 0 : i32
      %dma_wait3A_124 = tpu.memref_slice %arg2[%add3A_120, %dma_wait3A_123] : memref<32768x1024xf32, #tpu.memory_space<hbm>> -> memref<16x1024xf32, #tpu.memory_space<hbm>>
      tpu.wait_dma2 semaphore(%arg12 : memref<!tpu.dma_semaphore, #tpu.memory_space<semaphore_mem>>) src(%dma_wait3A_124 : memref<16x1024xf32, #tpu.memory_space<hbm>>) dst(%arg6 : memref<16x1024xf32, #tpu.memory_space<vmem>>)
      %parallel_loop3A_125 = arith.constant 0 : i32
      %parallel_loop3A_126 = arith.constant 512 : i32
      %parallel_loop3A_127 = arith.constant 1 : i32
      scf.for %parallel_loop3A_376 = %parallel_loop3A_125 to %parallel_loop3A_126 step %parallel_loop3A_127  : i32 {
        %parallel_loop3A_377 = arith.constant 5 : i32
        %parallel_loop3A_378 = arith.shrsi %parallel_loop3A_376, %parallel_loop3A_377 : i32
        %parallel_loop3A_379 = arith.constant 31 : i32
        %parallel_loop3A_380 = arith.andi %parallel_loop3A_376, %parallel_loop3A_379 : i32
        %parallel_loop3A_381 = arith.constant 32 : i32
        %parallel_loop3A_382 = arith.muli %parallel_loop3A_380, %parallel_loop3A_381 : i32
        %parallel_loop3A_383 = arith.constant 0 : i32
        %parallel_loop3A_384 = arith.addi %parallel_loop3A_382, %parallel_loop3A_383 : i32
        %parallel_loop3A_385 = arith.index_cast %parallel_loop3A_378 : i32 to index
        %parallel_loop3A_386 = arith.index_cast %parallel_loop3A_384 : i32 to index
        %parallel_loop3A_387 = tpu.vector_load %arg9[%parallel_loop3A_385, %parallel_loop3A_386] {strides = array<i32>} : memref<16x1024xf32, #tpu.memory_space<vmem>>, vector<1x16xf32>,
        %parallel_loop3A_388 = vector.shape_cast %parallel_loop3A_387 : vector<1x16xf32> to vector<16xf32>
        %parallel_loop3A_389 = arith.index_cast %parallel_loop3A_378 : i32 to index
        %parallel_loop3A_390 = arith.index_cast %parallel_loop3A_384 : i32 to index
        %parallel_loop3A_391 = tpu.vector_load %arg6[%parallel_loop3A_389, %parallel_loop3A_390] {strides = array<i32>} : memref<16x1024xf32, #tpu.memory_space<vmem>>, vector<1x16xf32>,
        %parallel_loop3A_392 = vector.shape_cast %parallel_loop3A_391 : vector<1x16xf32> to vector<16xf32>
        %parallel_loop3A_393 = vector.shape_cast %parallel_loop3A_388 : vector<16xf32> to vector<1x16xf32>
        tpu.vector_store %arg6[%parallel_loop3A_389, %parallel_loop3A_390], %parallel_loop3A_393 {add = true, strides = array<i32>} : memref<16x1024xf32, #tpu.memory_space<vmem>>, vector<1x16xf32>,
        %parallel_loop3A_394 = arith.constant 16 : i32
        %parallel_loop3A_395 = arith.addi %parallel_loop3A_382, %parallel_loop3A_394 : i32
        %parallel_loop3A_396 = arith.index_cast %parallel_loop3A_378 : i32 to index
        %parallel_loop3A_397 = arith.index_cast %parallel_loop3A_395 : i32 to index
        %parallel_loop3A_398 = tpu.vector_load %arg9[%parallel_loop3A_396, %parallel_loop3A_397] {strides = array<i32>} : memref<16x1024xf32, #tpu.memory_space<vmem>>, vector<1x16xf32>,
        %parallel_loop3A_399 = vector.shape_cast %parallel_loop3A_398 : vector<1x16xf32> to vector<16xf32>
        %parallel_loop3A_400 = arith.index_cast %parallel_loop3A_378 : i32 to index
        %parallel_loop3A_401 = arith.index_cast %parallel_loop3A_395 : i32 to index
        %parallel_loop3A_402 = tpu.vector_load %arg6[%parallel_loop3A_400, %parallel_loop3A_401] {strides = array<i32>} : memref<16x1024xf32, #tpu.memory_space<vmem>>, vector<1x16xf32>,
        %parallel_loop3A_403 = vector.shape_cast %parallel_loop3A_402 : vector<1x16xf32> to vector<16xf32>
        %parallel_loop3A_404 = vector.shape_cast %parallel_loop3A_399 : vector<16xf32> to vector<1x16xf32>
        tpu.vector_store %arg6[%parallel_loop3A_400, %parallel_loop3A_401], %parallel_loop3A_404 {add = true, strides = array<i32>} : memref<16x1024xf32, #tpu.memory_space<vmem>>, vector<1x16xf32>,
      } {sc.loop_unroll_factor = 1 : i64, sc.parallel_access}
      %add3A_128 = arith.constant 8192 : i32
      %add3A_129 = arith.addi %add3A_128, %mul3A_2 : i32
      %mul3A_130 = arith.constant 16 : i32
      %mul3A_131 = arith.muli %add3A_99, %mul3A_130 : i32
      %add3A_132 = arith.addi %add3A_129, %mul3A_131 : i32
      %dma_start3A_133 = arith.constant 0 : i32
      %dma_start3A_134 = tpu.memref_slice %arg4[%add3A_132, %dma_start3A_133] : memref<32768x1024xf32, #tpu.memory_space<hbm>> -> memref<16x1024xf32, #tpu.memory_space<hbm>>
      %dma_start3A_135 = arith.constant 0 : i32
      %dma_start3A_136 = tpu.memref_slice %arg4[%add3A_132, %dma_start3A_135] : memref<32768x1024xf32, #tpu.memory_space<hbm>> -> memref<16x1024xf32, #tpu.memory_space<hbm>>
      tpu.enqueue_dma source(%arg6 : memref<16x1024xf32, #tpu.memory_space<vmem>>) target(%dma_start3A_136 : memref<16x1024xf32, #tpu.memory_space<hbm>>) target_semaphore(%arg16 : memref<!tpu.dma_semaphore, #tpu.memory_space<semaphore_mem>>)
      %add3A_137 = arith.constant 0 : i32
      %add3A_138 = arith.addi %mul3A_46, %add3A_137 : i32
      %add3A_139 = arith.constant 1 : i32
      %add3A_140 = arith.addi %mul3A_46, %add3A_139 : i32
      %add3A_141 = arith.constant 0 : i32
      %add3A_142 = arith.addi %add3A_141, %mul3A_2 : i32
      %add3A_143 = arith.constant 0 : i32
      %add3A_144 = arith.addi %add3A_142, %add3A_143 : i32
      %dma_wait3A_145 = arith.constant 0 : i32
      %dma_wait3A_146 = tpu.memref_slice %arg4[%add3A_144, %dma_wait3A_145] : memref<32768x1024xf32, #tpu.memory_space<hbm>> -> memref<16x1024xf32, #tpu.memory_space<hbm>>
      %dma_wait3A_147 = arith.constant 0 : i32
      %dma_wait3A_148 = tpu.memref_slice %arg4[%add3A_144, %dma_wait3A_147] : memref<32768x1024xf32, #tpu.memory_space<hbm>> -> memref<16x1024xf32, #tpu.memory_space<hbm>>
      tpu.wait_dma2 semaphore(%arg15 : memref<!tpu.dma_semaphore, #tpu.memory_space<semaphore_mem>>) src(%arg5 : memref<16x1024xf32, #tpu.memory_space<vmem>>) dst(%dma_wait3A_148 : memref<16x1024xf32, #tpu.memory_space<hbm>>)
      %add3A_149 = arith.constant 0 : i32
      %add3A_150 = arith.addi %add3A_149, %mul3A_2 : i32
      %mul3A_151 = arith.constant 16 : i32
      %mul3A_152 = arith.muli %add3A_140, %mul3A_151 : i32
      %add3A_153 = arith.addi %add3A_150, %mul3A_152 : i32
      %dma_start3A_154 = arith.constant 0 : i32
      %dma_start3A_155 = tpu.memref_slice %arg2[%add3A_153, %dma_start3A_154] : memref<32768x1024xf32, #tpu.memory_space<hbm>> -> memref<16x1024xf32, #tpu.memory_space<hbm>>
      %dma_start3A_156 = arith.constant 0 : i32
      %dma_start3A_157 = tpu.memref_slice %arg2[%add3A_153, %dma_start3A_156] : memref<32768x1024xf32, #tpu.memory_space<hbm>> -> memref<16x1024xf32, #tpu.memory_space<hbm>>
      tpu.enqueue_dma source(%dma_start3A_157 : memref<16x1024xf32, #tpu.memory_space<hbm>>) target(%arg5 : memref<16x1024xf32, #tpu.memory_space<vmem>>) target_semaphore(%arg11 : memref<!tpu.dma_semaphore, #tpu.memory_space<semaphore_mem>>)
      %add3A_158 = arith.constant 16384 : i32
      %add3A_159 = arith.addi %add3A_158, %mul3A_2 : i32
      %mul3A_160 = arith.constant 16 : i32
      %mul3A_161 = arith.muli %add3A_138, %mul3A_160 : i32
      %add3A_162 = arith.addi %add3A_159, %mul3A_161 : i32
      %dma_wait3A_163 = arith.constant 0 : i32
      %dma_wait3A_164 = tpu.memref_slice %arg2[%add3A_162, %dma_wait3A_163] : memref<32768x1024xf32, #tpu.memory_space<hbm>> -> memref<16x1024xf32, #tpu.memory_space<hbm>>
      %dma_wait3A_165 = arith.constant 0 : i32
      %dma_wait3A_166 = tpu.memref_slice %arg2[%add3A_162, %dma_wait3A_165] : memref<32768x1024xf32, #tpu.memory_space<hbm>> -> memref<16x1024xf32, #tpu.memory_space<hbm>>
      tpu.wait_dma2 semaphore(%arg13 : memref<!tpu.dma_semaphore, #tpu.memory_space<semaphore_mem>>) src(%dma_wait3A_166 : memref<16x1024xf32, #tpu.memory_space<hbm>>) dst(%arg7 : memref<16x1024xf32, #tpu.memory_space<vmem>>)
      %parallel_loop3A_167 = arith.constant 0 : i32
      %parallel_loop3A_168 = arith.constant 512 : i32
      %parallel_loop3A_169 = arith.constant 1 : i32
      scf.for %parallel_loop3A_376 = %parallel_loop3A_167 to %parallel_loop3A_168 step %parallel_loop3A_169  : i32 {
        %parallel_loop3A_377 = arith.constant 5 : i32
        %parallel_loop3A_378 = arith.shrsi %parallel_loop3A_376, %parallel_loop3A_377 : i32
        %parallel_loop3A_379 = arith.constant 31 : i32
        %parallel_loop3A_380 = arith.andi %parallel_loop3A_376, %parallel_loop3A_379 : i32
        %parallel_loop3A_381 = arith.constant 32 : i32
        %parallel_loop3A_382 = arith.muli %parallel_loop3A_380, %parallel_loop3A_381 : i32
        %parallel_loop3A_383 = arith.constant 0 : i32
        %parallel_loop3A_384 = arith.addi %parallel_loop3A_382, %parallel_loop3A_383 : i32
        %parallel_loop3A_385 = arith.index_cast %parallel_loop3A_378 : i32 to index
        %parallel_loop3A_386 = arith.index_cast %parallel_loop3A_384 : i32 to index
        %parallel_loop3A_387 = tpu.vector_load %arg9[%parallel_loop3A_385, %parallel_loop3A_386] {strides = array<i32>} : memref<16x1024xf32, #tpu.memory_space<vmem>>, vector<1x16xf32>,
        %parallel_loop3A_388 = vector.shape_cast %parallel_loop3A_387 : vector<1x16xf32> to vector<16xf32>
        %parallel_loop3A_389 = arith.index_cast %parallel_loop3A_378 : i32 to index
        %parallel_loop3A_390 = arith.index_cast %parallel_loop3A_384 : i32 to index
        %parallel_loop3A_391 = tpu.vector_load %arg7[%parallel_loop3A_389, %parallel_loop3A_390] {strides = array<i32>} : memref<16x1024xf32, #tpu.memory_space<vmem>>, vector<1x16xf32>,
        %parallel_loop3A_392 = vector.shape_cast %parallel_loop3A_391 : vector<1x16xf32> to vector<16xf32>
        %parallel_loop3A_393 = vector.shape_cast %parallel_loop3A_388 : vector<16xf32> to vector<1x16xf32>
        tpu.vector_store %arg7[%parallel_loop3A_389, %parallel_loop3A_390], %parallel_loop3A_393 {add = true, strides = array<i32>} : memref<16x1024xf32, #tpu.memory_space<vmem>>, vector<1x16xf32>,
        %parallel_loop3A_394 = arith.constant 16 : i32
        %parallel_loop3A_395 = arith.addi %parallel_loop3A_382, %parallel_loop3A_394 : i32
        %parallel_loop3A_396 = arith.index_cast %parallel_loop3A_378 : i32 to index
        %parallel_loop3A_397 = arith.index_cast %parallel_loop3A_395 : i32 to index
        %parallel_loop3A_398 = tpu.vector_load %arg9[%parallel_loop3A_396, %parallel_loop3A_397] {strides = array<i32>} : memref<16x1024xf32, #tpu.memory_space<vmem>>, vector<1x16xf32>,
        %parallel_loop3A_399 = vector.shape_cast %parallel_loop3A_398 : vector<1x16xf32> to vector<16xf32>
        %parallel_loop3A_400 = arith.index_cast %parallel_loop3A_378 : i32 to index
        %parallel_loop3A_401 = arith.index_cast %parallel_loop3A_395 : i32 to index
        %parallel_loop3A_402 = tpu.vector_load %arg7[%parallel_loop3A_400, %parallel_loop3A_401] {strides = array<i32>} : memref<16x1024xf32, #tpu.memory_space<vmem>>, vector<1x16xf32>,
        %parallel_loop3A_403 = vector.shape_cast %parallel_loop3A_402 : vector<1x16xf32> to vector<16xf32>
        %parallel_loop3A_404 = vector.shape_cast %parallel_loop3A_399 : vector<16xf32> to vector<1x16xf32>
        tpu.vector_store %arg7[%parallel_loop3A_400, %parallel_loop3A_401], %parallel_loop3A_404 {add = true, strides = array<i32>} : memref<16x1024xf32, #tpu.memory_space<vmem>>, vector<1x16xf32>,
      } {sc.loop_unroll_factor = 1 : i64, sc.parallel_access}
      %add3A_170 = arith.constant 16384 : i32
      %add3A_171 = arith.addi %add3A_170, %mul3A_2 : i32
      %mul3A_172 = arith.constant 16 : i32
      %mul3A_173 = arith.muli %add3A_138, %mul3A_172 : i32
      %add3A_174 = arith.addi %add3A_171, %mul3A_173 : i32
      %dma_start3A_175 = arith.constant 0 : i32
      %dma_start3A_176 = tpu.memref_slice %arg4[%add3A_174, %dma_start3A_175] : memref<32768x1024xf32, #tpu.memory_space<hbm>> -> memref<16x1024xf32, #tpu.memory_space<hbm>>
      %dma_start3A_177 = arith.constant 0 : i32
      %dma_start3A_178 = tpu.memref_slice %arg4[%add3A_174, %dma_start3A_177] : memref<32768x1024xf32, #tpu.memory_space<hbm>> -> memref<16x1024xf32, #tpu.memory_space<hbm>>
      tpu.enqueue_dma source(%arg7 : memref<16x1024xf32, #tpu.memory_space<vmem>>) target(%dma_start3A_178 : memref<16x1024xf32, #tpu.memory_space<hbm>>) target_semaphore(%arg17 : memref<!tpu.dma_semaphore, #tpu.memory_space<semaphore_mem>>)
      %add3A_179 = arith.constant 0 : i32
      %add3A_180 = arith.addi %mul3A_46, %add3A_179 : i32
      %add3A_181 = arith.constant 1 : i32
      %add3A_182 = arith.addi %mul3A_46, %add3A_181 : i32
      %add3A_183 = arith.constant 0 : i32
      %add3A_184 = arith.addi %add3A_183, %mul3A_2 : i32
      %add3A_185 = arith.constant 0 : i32
      %add3A_186 = arith.addi %add3A_184, %add3A_185 : i32
      %dma_wait3A_187 = arith.constant 0 : i32
      %dma_wait3A_188 = tpu.memref_slice %arg4[%add3A_186, %dma_wait3A_187] : memref<32768x1024xf32, #tpu.memory_space<hbm>> -> memref<16x1024xf32, #tpu.memory_space<hbm>>
      %dma_wait3A_189 = arith.constant 0 : i32
      %dma_wait3A_190 = tpu.memref_slice %arg4[%add3A_186, %dma_wait3A_189] : memref<32768x1024xf32, #tpu.memory_space<hbm>> -> memref<16x1024xf32, #tpu.memory_space<hbm>>
      tpu.wait_dma2 semaphore(%arg16 : memref<!tpu.dma_semaphore, #tpu.memory_space<semaphore_mem>>) src(%arg6 : memref<16x1024xf32, #tpu.memory_space<vmem>>) dst(%dma_wait3A_190 : memref<16x1024xf32, #tpu.memory_space<hbm>>)
      %add3A_191 = arith.constant 8192 : i32
      %add3A_192 = arith.addi %add3A_191, %mul3A_2 : i32
      %mul3A_193 = arith.constant 16 : i32
      %mul3A_194 = arith.muli %add3A_182, %mul3A_193 : i32
      %add3A_195 = arith.addi %add3A_192, %mul3A_194 : i32
      %dma_start3A_196 = arith.constant 0 : i32
      %dma_start3A_197 = tpu.memref_slice %arg2[%add3A_195, %dma_start3A_196] : memref<32768x1024xf32, #tpu.memory_space<hbm>> -> memref<16x1024xf32, #tpu.memory_space<hbm>>
      %dma_start3A_198 = arith.constant 0 : i32
      %dma_start3A_199 = tpu.memref_slice %arg2[%add3A_195, %dma_start3A_198] : memref<32768x1024xf32, #tpu.memory_space<hbm>> -> memref<16x1024xf32, #tpu.memory_space<hbm>>
      tpu.enqueue_dma source(%dma_start3A_199 : memref<16x1024xf32, #tpu.memory_space<hbm>>) target(%arg6 : memref<16x1024xf32, #tpu.memory_space<vmem>>) target_semaphore(%arg12 : memref<!tpu.dma_semaphore, #tpu.memory_space<semaphore_mem>>)
      %add3A_200 = arith.constant 24576 : i32
      %add3A_201 = arith.addi %add3A_200, %mul3A_2 : i32
      %mul3A_202 = arith.constant 16 : i32
      %mul3A_203 = arith.muli %add3A_180, %mul3A_202 : i32
      %add3A_204 = arith.addi %add3A_201, %mul3A_203 : i32
      %dma_wait3A_205 = arith.constant 0 : i32
      %dma_wait3A_206 = tpu.memref_slice %arg2[%add3A_204, %dma_wait3A_205] : memref<32768x1024xf32, #tpu.memory_space<hbm>> -> memref<16x1024xf32, #tpu.memory_space<hbm>>
      %dma_wait3A_207 = arith.constant 0 : i32
      %dma_wait3A_208 = tpu.memref_slice %arg2[%add3A_204, %dma_wait3A_207] : memref<32768x1024xf32, #tpu.memory_space<hbm>> -> memref<16x1024xf32, #tpu.memory_space<hbm>>
      tpu.wait_dma2 semaphore(%arg14 : memref<!tpu.dma_semaphore, #tpu.memory_space<semaphore_mem>>) src(%dma_wait3A_208 : memref<16x1024xf32, #tpu.memory_space<hbm>>) dst(%arg8 : memref<16x1024xf32, #tpu.memory_space<vmem>>)
      %parallel_loop3A_209 = arith.constant 0 : i32
      %parallel_loop3A_210 = arith.constant 512 : i32
      %parallel_loop3A_211 = arith.constant 1 : i32
      scf.for %parallel_loop3A_376 = %parallel_loop3A_209 to %parallel_loop3A_210 step %parallel_loop3A_211  : i32 {
        %parallel_loop3A_377 = arith.constant 5 : i32
        %parallel_loop3A_378 = arith.shrsi %parallel_loop3A_376, %parallel_loop3A_377 : i32
        %parallel_loop3A_379 = arith.constant 31 : i32
        %parallel_loop3A_380 = arith.andi %parallel_loop3A_376, %parallel_loop3A_379 : i32
        %parallel_loop3A_381 = arith.constant 32 : i32
        %parallel_loop3A_382 = arith.muli %parallel_loop3A_380, %parallel_loop3A_381 : i32
        %parallel_loop3A_383 = arith.constant 0 : i32
        %parallel_loop3A_384 = arith.addi %parallel_loop3A_382, %parallel_loop3A_383 : i32
        %parallel_loop3A_385 = arith.index_cast %parallel_loop3A_378 : i32 to index
        %parallel_loop3A_386 = arith.index_cast %parallel_loop3A_384 : i32 to index
        %parallel_loop3A_387 = tpu.vector_load %arg9[%parallel_loop3A_385, %parallel_loop3A_386] {strides = array<i32>} : memref<16x1024xf32, #tpu.memory_space<vmem>>, vector<1x16xf32>,
        %parallel_loop3A_388 = vector.shape_cast %parallel_loop3A_387 : vector<1x16xf32> to vector<16xf32>
        %parallel_loop3A_389 = arith.index_cast %parallel_loop3A_378 : i32 to index
        %parallel_loop3A_390 = arith.index_cast %parallel_loop3A_384 : i32 to index
        %parallel_loop3A_391 = tpu.vector_load %arg8[%parallel_loop3A_389, %parallel_loop3A_390] {strides = array<i32>} : memref<16x1024xf32, #tpu.memory_space<vmem>>, vector<1x16xf32>,
        %parallel_loop3A_392 = vector.shape_cast %parallel_loop3A_391 : vector<1x16xf32> to vector<16xf32>
        %parallel_loop3A_393 = vector.shape_cast %parallel_loop3A_388 : vector<16xf32> to vector<1x16xf32>
        tpu.vector_store %arg8[%parallel_loop3A_389, %parallel_loop3A_390], %parallel_loop3A_393 {add = true, strides = array<i32>} : memref<16x1024xf32, #tpu.memory_space<vmem>>, vector<1x16xf32>,
        %parallel_loop3A_394 = arith.constant 16 : i32
        %parallel_loop3A_395 = arith.addi %parallel_loop3A_382, %parallel_loop3A_394 : i32
        %parallel_loop3A_396 = arith.index_cast %parallel_loop3A_378 : i32 to index
        %parallel_loop3A_397 = arith.index_cast %parallel_loop3A_395 : i32 to index
        %parallel_loop3A_398 = tpu.vector_load %arg9[%parallel_loop3A_396, %parallel_loop3A_397] {strides = array<i32>} : memref<16x1024xf32, #tpu.memory_space<vmem>>, vector<1x16xf32>,
        %parallel_loop3A_399 = vector.shape_cast %parallel_loop3A_398 : vector<1x16xf32> to vector<16xf32>
        %parallel_loop3A_400 = arith.index_cast %parallel_loop3A_378 : i32 to index
        %parallel_loop3A_401 = arith.index_cast %parallel_loop3A_395 : i32 to index
        %parallel_loop3A_402 = tpu.vector_load %arg8[%parallel_loop3A_400, %parallel_loop3A_401] {strides = array<i32>} : memref<16x1024xf32, #tpu.memory_space<vmem>>, vector<1x16xf32>,
        %parallel_loop3A_403 = vector.shape_cast %parallel_loop3A_402 : vector<1x16xf32> to vector<16xf32>
        %parallel_loop3A_404 = vector.shape_cast %parallel_loop3A_399 : vector<16xf32> to vector<1x16xf32>
        tpu.vector_store %arg8[%parallel_loop3A_400, %parallel_loop3A_401], %parallel_loop3A_404 {add = true, strides = array<i32>} : memref<16x1024xf32, #tpu.memory_space<vmem>>, vector<1x16xf32>,
      } {sc.loop_unroll_factor = 1 : i64, sc.parallel_access}
      %add3A_212 = arith.constant 24576 : i32
      %add3A_213 = arith.addi %add3A_212, %mul3A_2 : i32
      %mul3A_214 = arith.constant 16 : i32
      %mul3A_215 = arith.muli %add3A_180, %mul3A_214 : i32
      %add3A_216 = arith.addi %add3A_213, %mul3A_215 : i32
      %dma_start3A_217 = arith.constant 0 : i32
      %dma_start3A_218 = tpu.memref_slice %arg4[%add3A_216, %dma_start3A_217] : memref<32768x1024xf32, #tpu.memory_space<hbm>> -> memref<16x1024xf32, #tpu.memory_space<hbm>>
      %dma_start3A_219 = arith.constant 0 : i32
      %dma_start3A_220 = tpu.memref_slice %arg4[%add3A_216, %dma_start3A_219] : memref<32768x1024xf32, #tpu.memory_space<hbm>> -> memref<16x1024xf32, #tpu.memory_space<hbm>>
      tpu.enqueue_dma source(%arg8 : memref<16x1024xf32, #tpu.memory_space<vmem>>) target(%dma_start3A_220 : memref<16x1024xf32, #tpu.memory_space<hbm>>) target_semaphore(%arg18 : memref<!tpu.dma_semaphore, #tpu.memory_space<semaphore_mem>>)
      %add3A_221 = arith.constant 1 : i32
      %add3A_222 = arith.addi %mul3A_46, %add3A_221 : i32
      %lt3A = arith.constant 7 : i32
      %lt3A_223 = arith.cmpi slt, %scan3A_44, %lt3A : i32
      %convert_element_type3A_224 = arith.extui %lt3A_223 : i1 to i32
      %cond3A_225 = arith.constant 0 : i32
      %cond3A_226 = arith.cmpi ne, %convert_element_type3A_224, %cond3A_225 : i32
      scf.if %cond3A_226 {
        %add3A_376 = arith.constant 2 : i32
        %add3A_377 = arith.addi %mul3A_46, %add3A_376 : i32
        %mul3A_378 = arith.constant 16 : i32
        %mul3A_379 = arith.muli %add3A_377, %mul3A_378 : i32
        %add3A_380 = arith.addi %mul3A_2, %mul3A_379 : i32
        %dma_start3A_381 = arith.constant 0 : i32
        %dma_start3A_382 = tpu.memref_slice %arg3[%add3A_380, %dma_start3A_381] : memref<8192x1024xf32, #tpu.memory_space<hbm>> -> memref<16x1024xf32, #tpu.memory_space<hbm>>
        %dma_start3A_383 = arith.constant 0 : i32
        %dma_start3A_384 = tpu.memref_slice %arg3[%add3A_380, %dma_start3A_383] : memref<8192x1024xf32, #tpu.memory_space<hbm>> -> memref<16x1024xf32, #tpu.memory_space<hbm>>
        tpu.enqueue_dma source(%dma_start3A_384 : memref<16x1024xf32, #tpu.memory_space<hbm>>) target(%arg9 : memref<16x1024xf32, #tpu.memory_space<vmem>>) target_semaphore(%arg19 : memref<!tpu.dma_semaphore, #tpu.memory_space<semaphore_mem>>)
      } else {
      }
      %mul3A_227 = arith.constant 16 : i32
      %mul3A_228 = arith.muli %add3A_222, %mul3A_227 : i32
      %add3A_229 = arith.addi %mul3A_2, %mul3A_228 : i32
      %dma_wait3A_230 = arith.constant 0 : i32
      %dma_wait3A_231 = tpu.memref_slice %arg3[%add3A_229, %dma_wait3A_230] : memref<8192x1024xf32, #tpu.memory_space<hbm>> -> memref<16x1024xf32, #tpu.memory_space<hbm>>
      %dma_wait3A_232 = arith.constant 0 : i32
      %dma_wait3A_233 = tpu.memref_slice %arg3[%add3A_229, %dma_wait3A_232] : memref<8192x1024xf32, #tpu.memory_space<hbm>> -> memref<16x1024xf32, #tpu.memory_space<hbm>>
      tpu.wait_dma2 semaphore(%arg20 : memref<!tpu.dma_semaphore, #tpu.memory_space<semaphore_mem>>) src(%dma_wait3A_233 : memref<16x1024xf32, #tpu.memory_space<hbm>>) dst(%arg10 : memref<16x1024xf32, #tpu.memory_space<vmem>>)
      %add3A_234 = arith.constant 1 : i32
      %add3A_235 = arith.addi %mul3A_46, %add3A_234 : i32
      %add3A_236 = arith.constant 0 : i32
      %add3A_237 = arith.addi %add3A_236, %mul3A_2 : i32
      %add3A_238 = arith.constant 0 : i32
      %add3A_239 = arith.addi %add3A_237, %add3A_238 : i32
      %dma_wait3A_240 = arith.constant 0 : i32
      %dma_wait3A_241 = tpu.memref_slice %arg4[%add3A_239, %dma_wait3A_240] : memref<32768x1024xf32, #tpu.memory_space<hbm>> -> memref<16x1024xf32, #tpu.memory_space<hbm>>
      %dma_wait3A_242 = arith.constant 0 : i32
      %dma_wait3A_243 = tpu.memref_slice %arg4[%add3A_239, %dma_wait3A_242] : memref<32768x1024xf32, #tpu.memory_space<hbm>> -> memref<16x1024xf32, #tpu.memory_space<hbm>>
      tpu.wait_dma2 semaphore(%arg17 : memref<!tpu.dma_semaphore, #tpu.memory_space<semaphore_mem>>) src(%arg7 : memref<16x1024xf32, #tpu.memory_space<vmem>>) dst(%dma_wait3A_243 : memref<16x1024xf32, #tpu.memory_space<hbm>>)
      %add3A_244 = arith.constant 16384 : i32
      %add3A_245 = arith.addi %add3A_244, %mul3A_2 : i32
      %mul3A_246 = arith.constant 16 : i32
      %mul3A_247 = arith.muli %add3A_235, %mul3A_246 : i32
      %add3A_248 = arith.addi %add3A_245, %mul3A_247 : i32
      %dma_start3A_249 = arith.constant 0 : i32
      %dma_start3A_250 = tpu.memref_slice %arg2[%add3A_248, %dma_start3A_249] : memref<32768x1024xf32, #tpu.memory_space<hbm>> -> memref<16x1024xf32, #tpu.memory_space<hbm>>
      %dma_start3A_251 = arith.constant 0 : i32
      %dma_start3A_252 = tpu.memref_slice %arg2[%add3A_248, %dma_start3A_251] : memref<32768x1024xf32, #tpu.memory_space<hbm>> -> memref<16x1024xf32, #tpu.memory_space<hbm>>
      tpu.enqueue_dma source(%dma_start3A_252 : memref<16x1024xf32, #tpu.memory_space<hbm>>) target(%arg7 : memref<16x1024xf32, #tpu.memory_space<vmem>>) target_semaphore(%arg13 : memref<!tpu.dma_semaphore, #tpu.memory_space<semaphore_mem>>)
      %add3A_253 = arith.constant 0 : i32
      %add3A_254 = arith.addi %add3A_253, %mul3A_2 : i32
      %mul3A_255 = arith.constant 16 : i32
      %mul3A_256 = arith.muli %add3A_222, %mul3A_255 : i32
      %add3A_257 = arith.addi %add3A_254, %mul3A_256 : i32
      %dma_wait3A_258 = arith.constant 0 : i32
      %dma_wait3A_259 = tpu.memref_slice %arg2[%add3A_257, %dma_wait3A_258] : memref<32768x1024xf32, #tpu.memory_space<hbm>> -> memref<16x1024xf32, #tpu.memory_space<hbm>>
      %dma_wait3A_260 = arith.constant 0 : i32
      %dma_wait3A_261 = tpu.memref_slice %arg2[%add3A_257, %dma_wait3A_260] : memref<32768x1024xf32, #tpu.memory_space<hbm>> -> memref<16x1024xf32, #tpu.memory_space<hbm>>
      tpu.wait_dma2 semaphore(%arg11 : memref<!tpu.dma_semaphore, #tpu.memory_space<semaphore_mem>>) src(%dma_wait3A_261 : memref<16x1024xf32, #tpu.memory_space<hbm>>) dst(%arg5 : memref<16x1024xf32, #tpu.memory_space<vmem>>)
      %parallel_loop3A_262 = arith.constant 0 : i32
      %parallel_loop3A_263 = arith.constant 512 : i32
      %parallel_loop3A_264 = arith.constant 1 : i32
      scf.for %parallel_loop3A_376 = %parallel_loop3A_262 to %parallel_loop3A_263 step %parallel_loop3A_264  : i32 {
        %parallel_loop3A_377 = arith.constant 5 : i32
        %parallel_loop3A_378 = arith.shrsi %parallel_loop3A_376, %parallel_loop3A_377 : i32
        %parallel_loop3A_379 = arith.constant 31 : i32
        %parallel_loop3A_380 = arith.andi %parallel_loop3A_376, %parallel_loop3A_379 : i32
        %parallel_loop3A_381 = arith.constant 32 : i32
        %parallel_loop3A_382 = arith.muli %parallel_loop3A_380, %parallel_loop3A_381 : i32
        %parallel_loop3A_383 = arith.constant 0 : i32
        %parallel_loop3A_384 = arith.addi %parallel_loop3A_382, %parallel_loop3A_383 : i32
        %parallel_loop3A_385 = arith.index_cast %parallel_loop3A_378 : i32 to index
        %parallel_loop3A_386 = arith.index_cast %parallel_loop3A_384 : i32 to index
        %parallel_loop3A_387 = tpu.vector_load %arg10[%parallel_loop3A_385, %parallel_loop3A_386] {strides = array<i32>} : memref<16x1024xf32, #tpu.memory_space<vmem>>, vector<1x16xf32>,
        %parallel_loop3A_388 = vector.shape_cast %parallel_loop3A_387 : vector<1x16xf32> to vector<16xf32>
        %parallel_loop3A_389 = arith.index_cast %parallel_loop3A_378 : i32 to index
        %parallel_loop3A_390 = arith.index_cast %parallel_loop3A_384 : i32 to index
        %parallel_loop3A_391 = tpu.vector_load %arg5[%parallel_loop3A_389, %parallel_loop3A_390] {strides = array<i32>} : memref<16x1024xf32, #tpu.memory_space<vmem>>, vector<1x16xf32>,
        %parallel_loop3A_392 = vector.shape_cast %parallel_loop3A_391 : vector<1x16xf32> to vector<16xf32>
        %parallel_loop3A_393 = vector.shape_cast %parallel_loop3A_388 : vector<16xf32> to vector<1x16xf32>
        tpu.vector_store %arg5[%parallel_loop3A_389, %parallel_loop3A_390], %parallel_loop3A_393 {add = true, strides = array<i32>} : memref<16x1024xf32, #tpu.memory_space<vmem>>, vector<1x16xf32>,
        %parallel_loop3A_394 = arith.constant 16 : i32
        %parallel_loop3A_395 = arith.addi %parallel_loop3A_382, %parallel_loop3A_394 : i32
        %parallel_loop3A_396 = arith.index_cast %parallel_loop3A_378 : i32 to index
        %parallel_loop3A_397 = arith.index_cast %parallel_loop3A_395 : i32 to index
        %parallel_loop3A_398 = tpu.vector_load %arg10[%parallel_loop3A_396, %parallel_loop3A_397] {strides = array<i32>} : memref<16x1024xf32, #tpu.memory_space<vmem>>, vector<1x16xf32>,
        %parallel_loop3A_399 = vector.shape_cast %parallel_loop3A_398 : vector<1x16xf32> to vector<16xf32>
        %parallel_loop3A_400 = arith.index_cast %parallel_loop3A_378 : i32 to index
        %parallel_loop3A_401 = arith.index_cast %parallel_loop3A_395 : i32 to index
        %parallel_loop3A_402 = tpu.vector_load %arg5[%parallel_loop3A_400, %parallel_loop3A_401] {strides = array<i32>} : memref<16x1024xf32, #tpu.memory_space<vmem>>, vector<1x16xf32>,
        %parallel_loop3A_403 = vector.shape_cast %parallel_loop3A_402 : vector<1x16xf32> to vector<16xf32>
        %parallel_loop3A_404 = vector.shape_cast %parallel_loop3A_399 : vector<16xf32> to vector<1x16xf32>
        tpu.vector_store %arg5[%parallel_loop3A_400, %parallel_loop3A_401], %parallel_loop3A_404 {add = true, strides = array<i32>} : memref<16x1024xf32, #tpu.memory_space<vmem>>, vector<1x16xf32>,
      } {sc.loop_unroll_factor = 1 : i64, sc.parallel_access}
      %add3A_265 = arith.constant 0 : i32
      %add3A_266 = arith.addi %add3A_265, %mul3A_2 : i32
      %mul3A_267 = arith.constant 16 : i32
      %mul3A_268 = arith.muli %add3A_222, %mul3A_267 : i32
      %add3A_269 = arith.addi %add3A_266, %mul3A_268 : i32
      %dma_start3A_270 = arith.constant 0 : i32
      %dma_start3A_271 = tpu.memref_slice %arg4[%add3A_269, %dma_start3A_270] : memref<32768x1024xf32, #tpu.memory_space<hbm>> -> memref<16x1024xf32, #tpu.memory_space<hbm>>
      %dma_start3A_272 = arith.constant 0 : i32
      %dma_start3A_273 = tpu.memref_slice %arg4[%add3A_269, %dma_start3A_272] : memref<32768x1024xf32, #tpu.memory_space<hbm>> -> memref<16x1024xf32, #tpu.memory_space<hbm>>
      tpu.enqueue_dma source(%arg5 : memref<16x1024xf32, #tpu.memory_space<vmem>>) target(%dma_start3A_273 : memref<16x1024xf32, #tpu.memory_space<hbm>>) target_semaphore(%arg15 : memref<!tpu.dma_semaphore, #tpu.memory_space<semaphore_mem>>)
      %add3A_274 = arith.constant 1 : i32
      %add3A_275 = arith.addi %mul3A_46, %add3A_274 : i32
      %add3A_276 = arith.constant 1 : i32
      %add3A_277 = arith.addi %mul3A_46, %add3A_276 : i32
      %add3A_278 = arith.constant 0 : i32
      %add3A_279 = arith.addi %add3A_278, %mul3A_2 : i32
      %add3A_280 = arith.constant 0 : i32
      %add3A_281 = arith.addi %add3A_279, %add3A_280 : i32
      %dma_wait3A_282 = arith.constant 0 : i32
      %dma_wait3A_283 = tpu.memref_slice %arg4[%add3A_281, %dma_wait3A_282] : memref<32768x1024xf32, #tpu.memory_space<hbm>> -> memref<16x1024xf32, #tpu.memory_space<hbm>>
      %dma_wait3A_284 = arith.constant 0 : i32
      %dma_wait3A_285 = tpu.memref_slice %arg4[%add3A_281, %dma_wait3A_284] : memref<32768x1024xf32, #tpu.memory_space<hbm>> -> memref<16x1024xf32, #tpu.memory_space<hbm>>
      tpu.wait_dma2 semaphore(%arg18 : memref<!tpu.dma_semaphore, #tpu.memory_space<semaphore_mem>>) src(%arg8 : memref<16x1024xf32, #tpu.memory_space<vmem>>) dst(%dma_wait3A_285 : memref<16x1024xf32, #tpu.memory_space<hbm>>)
      %add3A_286 = arith.constant 24576 : i32
      %add3A_287 = arith.addi %add3A_286, %mul3A_2 : i32
      %mul3A_288 = arith.constant 16 : i32
      %mul3A_289 = arith.muli %add3A_277, %mul3A_288 : i32
      %add3A_290 = arith.addi %add3A_287, %mul3A_289 : i32
      %dma_start3A_291 = arith.constant 0 : i32
      %dma_start3A_292 = tpu.memref_slice %arg2[%add3A_290, %dma_start3A_291] : memref<32768x1024xf32, #tpu.memory_space<hbm>> -> memref<16x1024xf32, #tpu.memory_space<hbm>>
      %dma_start3A_293 = arith.constant 0 : i32
      %dma_start3A_294 = tpu.memref_slice %arg2[%add3A_290, %dma_start3A_293] : memref<32768x1024xf32, #tpu.memory_space<hbm>> -> memref<16x1024xf32, #tpu.memory_space<hbm>>
      tpu.enqueue_dma source(%dma_start3A_294 : memref<16x1024xf32, #tpu.memory_space<hbm>>) target(%arg8 : memref<16x1024xf32, #tpu.memory_space<vmem>>) target_semaphore(%arg14 : memref<!tpu.dma_semaphore, #tpu.memory_space<semaphore_mem>>)
      %add3A_295 = arith.constant 8192 : i32
      %add3A_296 = arith.addi %add3A_295, %mul3A_2 : i32
      %mul3A_297 = arith.constant 16 : i32
      %mul3A_298 = arith.muli %add3A_275, %mul3A_297 : i32
      %add3A_299 = arith.addi %add3A_296, %mul3A_298 : i32
      %dma_wait3A_300 = arith.constant 0 : i32
      %dma_wait3A_301 = tpu.memref_slice %arg2[%add3A_299, %dma_wait3A_300] : memref<32768x1024xf32, #tpu.memory_space<hbm>> -> memref<16x1024xf32, #tpu.memory_space<hbm>>
      %dma_wait3A_302 = arith.constant 0 : i32
      %dma_wait3A_303 = tpu.memref_slice %arg2[%add3A_299, %dma_wait3A_302] : memref<32768x1024xf32, #tpu.memory_space<hbm>> -> memref<16x1024xf32, #tpu.memory_space<hbm>>
      tpu.wait_dma2 semaphore(%arg12 : memref<!tpu.dma_semaphore, #tpu.memory_space<semaphore_mem>>) src(%dma_wait3A_303 : memref<16x1024xf32, #tpu.memory_space<hbm>>) dst(%arg6 : memref<16x1024xf32, #tpu.memory_space<vmem>>)
      %parallel_loop3A_304 = arith.constant 0 : i32
      %parallel_loop3A_305 = arith.constant 512 : i32
      %parallel_loop3A_306 = arith.constant 1 : i32
      scf.for %parallel_loop3A_376 = %parallel_loop3A_304 to %parallel_loop3A_305 step %parallel_loop3A_306  : i32 {
        %parallel_loop3A_377 = arith.constant 5 : i32
        %parallel_loop3A_378 = arith.shrsi %parallel_loop3A_376, %parallel_loop3A_377 : i32
        %parallel_loop3A_379 = arith.constant 31 : i32
        %parallel_loop3A_380 = arith.andi %parallel_loop3A_376, %parallel_loop3A_379 : i32
        %parallel_loop3A_381 = arith.constant 32 : i32
        %parallel_loop3A_382 = arith.muli %parallel_loop3A_380, %parallel_loop3A_381 : i32
        %parallel_loop3A_383 = arith.constant 0 : i32
        %parallel_loop3A_384 = arith.addi %parallel_loop3A_382, %parallel_loop3A_383 : i32
        %parallel_loop3A_385 = arith.index_cast %parallel_loop3A_378 : i32 to index
        %parallel_loop3A_386 = arith.index_cast %parallel_loop3A_384 : i32 to index
        %parallel_loop3A_387 = tpu.vector_load %arg10[%parallel_loop3A_385, %parallel_loop3A_386] {strides = array<i32>} : memref<16x1024xf32, #tpu.memory_space<vmem>>, vector<1x16xf32>,
        %parallel_loop3A_388 = vector.shape_cast %parallel_loop3A_387 : vector<1x16xf32> to vector<16xf32>
        %parallel_loop3A_389 = arith.index_cast %parallel_loop3A_378 : i32 to index
        %parallel_loop3A_390 = arith.index_cast %parallel_loop3A_384 : i32 to index
        %parallel_loop3A_391 = tpu.vector_load %arg6[%parallel_loop3A_389, %parallel_loop3A_390] {strides = array<i32>} : memref<16x1024xf32, #tpu.memory_space<vmem>>, vector<1x16xf32>,
        %parallel_loop3A_392 = vector.shape_cast %parallel_loop3A_391 : vector<1x16xf32> to vector<16xf32>
        %parallel_loop3A_393 = vector.shape_cast %parallel_loop3A_388 : vector<16xf32> to vector<1x16xf32>
        tpu.vector_store %arg6[%parallel_loop3A_389, %parallel_loop3A_390], %parallel_loop3A_393 {add = true, strides = array<i32>} : memref<16x1024xf32, #tpu.memory_space<vmem>>, vector<1x16xf32>,
        %parallel_loop3A_394 = arith.constant 16 : i32
        %parallel_loop3A_395 = arith.addi %parallel_loop3A_382, %parallel_loop3A_394 : i32
        %parallel_loop3A_396 = arith.index_cast %parallel_loop3A_378 : i32 to index
        %parallel_loop3A_397 = arith.index_cast %parallel_loop3A_395 : i32 to index
        %parallel_loop3A_398 = tpu.vector_load %arg10[%parallel_loop3A_396, %parallel_loop3A_397] {strides = array<i32>} : memref<16x1024xf32, #tpu.memory_space<vmem>>, vector<1x16xf32>,
        %parallel_loop3A_399 = vector.shape_cast %parallel_loop3A_398 : vector<1x16xf32> to vector<16xf32>
        %parallel_loop3A_400 = arith.index_cast %parallel_loop3A_378 : i32 to index
        %parallel_loop3A_401 = arith.index_cast %parallel_loop3A_395 : i32 to index
        %parallel_loop3A_402 = tpu.vector_load %arg6[%parallel_loop3A_400, %parallel_loop3A_401] {strides = array<i32>} : memref<16x1024xf32, #tpu.memory_space<vmem>>, vector<1x16xf32>,
        %parallel_loop3A_403 = vector.shape_cast %parallel_loop3A_402 : vector<1x16xf32> to vector<16xf32>
        %parallel_loop3A_404 = vector.shape_cast %parallel_loop3A_399 : vector<16xf32> to vector<1x16xf32>
        tpu.vector_store %arg6[%parallel_loop3A_400, %parallel_loop3A_401], %parallel_loop3A_404 {add = true, strides = array<i32>} : memref<16x1024xf32, #tpu.memory_space<vmem>>, vector<1x16xf32>,
      } {sc.loop_unroll_factor = 1 : i64, sc.parallel_access}
      %add3A_307 = arith.constant 8192 : i32
      %add3A_308 = arith.addi %add3A_307, %mul3A_2 : i32
      %mul3A_309 = arith.constant 16 : i32
      %mul3A_310 = arith.muli %add3A_275, %mul3A_309 : i32
      %add3A_311 = arith.addi %add3A_308, %mul3A_310 : i32
      %dma_start3A_312 = arith.constant 0 : i32
      %dma_start3A_313 = tpu.memref_slice %arg4[%add3A_311, %dma_start3A_312] : memref<32768x1024xf32, #tpu.memory_space<hbm>> -> memref<16x1024xf32, #tpu.memory_space<hbm>>
      %dma_start3A_314 = arith.constant 0 : i32
      %dma_start3A_315 = tpu.memref_slice %arg4[%add3A_311, %dma_start3A_314] : memref<32768x1024xf32, #tpu.memory_space<hbm>> -> memref<16x1024xf32, #tpu.memory_space<hbm>>
      tpu.enqueue_dma source(%arg6 : memref<16x1024xf32, #tpu.memory_space<vmem>>) target(%dma_start3A_315 : memref<16x1024xf32, #tpu.memory_space<hbm>>) target_semaphore(%arg16 : memref<!tpu.dma_semaphore, #tpu.memory_space<semaphore_mem>>)
      %add3A_316 = arith.constant 1 : i32
      %add3A_317 = arith.addi %mul3A_46, %add3A_316 : i32
      %add3A_318 = arith.constant 2 : i32
      %add3A_319 = arith.addi %mul3A_46, %add3A_318 : i32
      %lt3A_320 = arith.constant 7 : i32
      %lt3A_321 = arith.cmpi slt, %scan3A_44, %lt3A_320 : i32
      %convert_element_type3A_322 = arith.extui %lt3A_321 : i1 to i32
      %cond3A_323 = arith.constant 0 : i32
      %cond3A_324 = arith.cmpi ne, %convert_element_type3A_322, %cond3A_323 : i32
      scf.if %cond3A_324 {
        %add3A_376 = arith.constant 0 : i32
        %add3A_377 = arith.addi %add3A_376, %mul3A_2 : i32
        %add3A_378 = arith.constant 0 : i32
        %add3A_379 = arith.addi %add3A_377, %add3A_378 : i32
        %dma_wait3A_380 = arith.constant 0 : i32
        %dma_wait3A_381 = tpu.memref_slice %arg4[%add3A_379, %dma_wait3A_380] : memref<32768x1024xf32, #tpu.memory_space<hbm>> -> memref<16x1024xf32, #tpu.memory_space<hbm>>
        %dma_wait3A_382 = arith.constant 0 : i32
        %dma_wait3A_383 = tpu.memref_slice %arg4[%add3A_379, %dma_wait3A_382] : memref<32768x1024xf32, #tpu.memory_space<hbm>> -> memref<16x1024xf32, #tpu.memory_space<hbm>>
        tpu.wait_dma2 semaphore(%arg15 : memref<!tpu.dma_semaphore, #tpu.memory_space<semaphore_mem>>) src(%arg5 : memref<16x1024xf32, #tpu.memory_space<vmem>>) dst(%dma_wait3A_383 : memref<16x1024xf32, #tpu.memory_space<hbm>>)
        %add3A_384 = arith.constant 0 : i32
        %add3A_385 = arith.addi %add3A_384, %mul3A_2 : i32
        %mul3A_386 = arith.constant 16 : i32
        %mul3A_387 = arith.muli %add3A_319, %mul3A_386 : i32
        %add3A_388 = arith.addi %add3A_385, %mul3A_387 : i32
        %dma_start3A_389 = arith.constant 0 : i32
        %dma_start3A_390 = tpu.memref_slice %arg2[%add3A_388, %dma_start3A_389] : memref<32768x1024xf32, #tpu.memory_space<hbm>> -> memref<16x1024xf32, #tpu.memory_space<hbm>>
        %dma_start3A_391 = arith.constant 0 : i32
        %dma_start3A_392 = tpu.memref_slice %arg2[%add3A_388, %dma_start3A_391] : memref<32768x1024xf32, #tpu.memory_space<hbm>> -> memref<16x1024xf32, #tpu.memory_space<hbm>>
        tpu.enqueue_dma source(%dma_start3A_392 : memref<16x1024xf32, #tpu.memory_space<hbm>>) target(%arg5 : memref<16x1024xf32, #tpu.memory_space<vmem>>) target_semaphore(%arg11 : memref<!tpu.dma_semaphore, #tpu.memory_space<semaphore_mem>>)
      } else {
      }
      %add3A_325 = arith.constant 16384 : i32
      %add3A_326 = arith.addi %add3A_325, %mul3A_2 : i32
      %mul3A_327 = arith.constant 16 : i32
      %mul3A_328 = arith.muli %add3A_317, %mul3A_327 : i32
      %add3A_329 = arith.addi %add3A_326, %mul3A_328 : i32
      %dma_wait3A_330 = arith.constant 0 : i32
      %dma_wait3A_331 = tpu.memref_slice %arg2[%add3A_329, %dma_wait3A_330] : memref<32768x1024xf32, #tpu.memory_space<hbm>> -> memref<16x1024xf32, #tpu.memory_space<hbm>>
      %dma_wait3A_332 = arith.constant 0 : i32
      %dma_wait3A_333 = tpu.memref_slice %arg2[%add3A_329, %dma_wait3A_332] : memref<32768x1024xf32, #tpu.memory_space<hbm>> -> memref<16x1024xf32, #tpu.memory_space<hbm>>
      tpu.wait_dma2 semaphore(%arg13 : memref<!tpu.dma_semaphore, #tpu.memory_space<semaphore_mem>>) src(%dma_wait3A_333 : memref<16x1024xf32, #tpu.memory_space<hbm>>) dst(%arg7 : memref<16x1024xf32, #tpu.memory_space<vmem>>)
      %parallel_loop3A_334 = arith.constant 0 : i32
      %parallel_loop3A_335 = arith.constant 512 : i32
      %parallel_loop3A_336 = arith.constant 1 : i32
      scf.for %parallel_loop3A_376 = %parallel_loop3A_334 to %parallel_loop3A_335 step %parallel_loop3A_336  : i32 {
        %parallel_loop3A_377 = arith.constant 5 : i32
        %parallel_loop3A_378 = arith.shrsi %parallel_loop3A_376, %parallel_loop3A_377 : i32
        %parallel_loop3A_379 = arith.constant 31 : i32
        %parallel_loop3A_380 = arith.andi %parallel_loop3A_376, %parallel_loop3A_379 : i32
        %parallel_loop3A_381 = arith.constant 32 : i32
        %parallel_loop3A_382 = arith.muli %parallel_loop3A_380, %parallel_loop3A_381 : i32
        %parallel_loop3A_383 = arith.constant 0 : i32
        %parallel_loop3A_384 = arith.addi %parallel_loop3A_382, %parallel_loop3A_383 : i32
        %parallel_loop3A_385 = arith.index_cast %parallel_loop3A_378 : i32 to index
        %parallel_loop3A_386 = arith.index_cast %parallel_loop3A_384 : i32 to index
        %parallel_loop3A_387 = tpu.vector_load %arg10[%parallel_loop3A_385, %parallel_loop3A_386] {strides = array<i32>} : memref<16x1024xf32, #tpu.memory_space<vmem>>, vector<1x16xf32>,
        %parallel_loop3A_388 = vector.shape_cast %parallel_loop3A_387 : vector<1x16xf32> to vector<16xf32>
        %parallel_loop3A_389 = arith.index_cast %parallel_loop3A_378 : i32 to index
        %parallel_loop3A_390 = arith.index_cast %parallel_loop3A_384 : i32 to index
        %parallel_loop3A_391 = tpu.vector_load %arg7[%parallel_loop3A_389, %parallel_loop3A_390] {strides = array<i32>} : memref<16x1024xf32, #tpu.memory_space<vmem>>, vector<1x16xf32>,
        %parallel_loop3A_392 = vector.shape_cast %parallel_loop3A_391 : vector<1x16xf32> to vector<16xf32>
        %parallel_loop3A_393 = vector.shape_cast %parallel_loop3A_388 : vector<16xf32> to vector<1x16xf32>
        tpu.vector_store %arg7[%parallel_loop3A_389, %parallel_loop3A_390], %parallel_loop3A_393 {add = true, strides = array<i32>} : memref<16x1024xf32, #tpu.memory_space<vmem>>, vector<1x16xf32>,
        %parallel_loop3A_394 = arith.constant 16 : i32
        %parallel_loop3A_395 = arith.addi %parallel_loop3A_382, %parallel_loop3A_394 : i32
        %parallel_loop3A_396 = arith.index_cast %parallel_loop3A_378 : i32 to index
        %parallel_loop3A_397 = arith.index_cast %parallel_loop3A_395 : i32 to index
        %parallel_loop3A_398 = tpu.vector_load %arg10[%parallel_loop3A_396, %parallel_loop3A_397] {strides = array<i32>} : memref<16x1024xf32, #tpu.memory_space<vmem>>, vector<1x16xf32>,
        %parallel_loop3A_399 = vector.shape_cast %parallel_loop3A_398 : vector<1x16xf32> to vector<16xf32>
        %parallel_loop3A_400 = arith.index_cast %parallel_loop3A_378 : i32 to index
        %parallel_loop3A_401 = arith.index_cast %parallel_loop3A_395 : i32 to index
        %parallel_loop3A_402 = tpu.vector_load %arg7[%parallel_loop3A_400, %parallel_loop3A_401] {strides = array<i32>} : memref<16x1024xf32, #tpu.memory_space<vmem>>, vector<1x16xf32>,
        %parallel_loop3A_403 = vector.shape_cast %parallel_loop3A_402 : vector<1x16xf32> to vector<16xf32>
        %parallel_loop3A_404 = vector.shape_cast %parallel_loop3A_399 : vector<16xf32> to vector<1x16xf32>
        tpu.vector_store %arg7[%parallel_loop3A_400, %parallel_loop3A_401], %parallel_loop3A_404 {add = true, strides = array<i32>} : memref<16x1024xf32, #tpu.memory_space<vmem>>, vector<1x16xf32>,
      } {sc.loop_unroll_factor = 1 : i64, sc.parallel_access}
      %add3A_337 = arith.constant 16384 : i32
      %add3A_338 = arith.addi %add3A_337, %mul3A_2 : i32
      %mul3A_339 = arith.constant 16 : i32
      %mul3A_340 = arith.muli %add3A_317, %mul3A_339 : i32
      %add3A_341 = arith.addi %add3A_338, %mul3A_340 : i32
      %dma_start3A_342 = arith.constant 0 : i32
      %dma_start3A_343 = tpu.memref_slice %arg4[%add3A_341, %dma_start3A_342] : memref<32768x1024xf32, #tpu.memory_space<hbm>> -> memref<16x1024xf32, #tpu.memory_space<hbm>>
      %dma_start3A_344 = arith.constant 0 : i32
      %dma_start3A_345 = tpu.memref_slice %arg4[%add3A_341, %dma_start3A_344] : memref<32768x1024xf32, #tpu.memory_space<hbm>> -> memref<16x1024xf32, #tpu.memory_space<hbm>>
      tpu.enqueue_dma source(%arg7 : memref<16x1024xf32, #tpu.memory_space<vmem>>) target(%dma_start3A_345 : memref<16x1024xf32, #tpu.memory_space<hbm>>) target_semaphore(%arg17 : memref<!tpu.dma_semaphore, #tpu.memory_space<semaphore_mem>>)
      %add3A_346 = arith.constant 1 : i32
      %add3A_347 = arith.addi %mul3A_46, %add3A_346 : i32
      %add3A_348 = arith.constant 2 : i32
      %add3A_349 = arith.addi %mul3A_46, %add3A_348 : i32
      %lt3A_350 = arith.constant 7 : i32
      %lt3A_351 = arith.cmpi slt, %scan3A_44, %lt3A_350 : i32
      %convert_element_type3A_352 = arith.extui %lt3A_351 : i1 to i32
      %cond3A_353 = arith.constant 0 : i32
      %cond3A_354 = arith.cmpi ne, %convert_element_type3A_352, %cond3A_353 : i32
      scf.if %cond3A_354 {
        %add3A_376 = arith.constant 0 : i32
        %add3A_377 = arith.addi %add3A_376, %mul3A_2 : i32
        %add3A_378 = arith.constant 0 : i32
        %add3A_379 = arith.addi %add3A_377, %add3A_378 : i32
        %dma_wait3A_380 = arith.constant 0 : i32
        %dma_wait3A_381 = tpu.memref_slice %arg4[%add3A_379, %dma_wait3A_380] : memref<32768x1024xf32, #tpu.memory_space<hbm>> -> memref<16x1024xf32, #tpu.memory_space<hbm>>
        %dma_wait3A_382 = arith.constant 0 : i32
        %dma_wait3A_383 = tpu.memref_slice %arg4[%add3A_379, %dma_wait3A_382] : memref<32768x1024xf32, #tpu.memory_space<hbm>> -> memref<16x1024xf32, #tpu.memory_space<hbm>>
        tpu.wait_dma2 semaphore(%arg16 : memref<!tpu.dma_semaphore, #tpu.memory_space<semaphore_mem>>) src(%arg6 : memref<16x1024xf32, #tpu.memory_space<vmem>>) dst(%dma_wait3A_383 : memref<16x1024xf32, #tpu.memory_space<hbm>>)
        %add3A_384 = arith.constant 8192 : i32
        %add3A_385 = arith.addi %add3A_384, %mul3A_2 : i32
        %mul3A_386 = arith.constant 16 : i32
        %mul3A_387 = arith.muli %add3A_349, %mul3A_386 : i32
        %add3A_388 = arith.addi %add3A_385, %mul3A_387 : i32
        %dma_start3A_389 = arith.constant 0 : i32
        %dma_start3A_390 = tpu.memref_slice %arg2[%add3A_388, %dma_start3A_389] : memref<32768x1024xf32, #tpu.memory_space<hbm>> -> memref<16x1024xf32, #tpu.memory_space<hbm>>
        %dma_start3A_391 = arith.constant 0 : i32
        %dma_start3A_392 = tpu.memref_slice %arg2[%add3A_388, %dma_start3A_391] : memref<32768x1024xf32, #tpu.memory_space<hbm>> -> memref<16x1024xf32, #tpu.memory_space<hbm>>
        tpu.enqueue_dma source(%dma_start3A_392 : memref<16x1024xf32, #tpu.memory_space<hbm>>) target(%arg6 : memref<16x1024xf32, #tpu.memory_space<vmem>>) target_semaphore(%arg12 : memref<!tpu.dma_semaphore, #tpu.memory_space<semaphore_mem>>)
      } else {
      }
      %add3A_355 = arith.constant 24576 : i32
      %add3A_356 = arith.addi %add3A_355, %mul3A_2 : i32
      %mul3A_357 = arith.constant 16 : i32
      %mul3A_358 = arith.muli %add3A_347, %mul3A_357 : i32
      %add3A_359 = arith.addi %add3A_356, %mul3A_358 : i32
      %dma_wait3A_360 = arith.constant 0 : i32
      %dma_wait3A_361 = tpu.memref_slice %arg2[%add3A_359, %dma_wait3A_360] : memref<32768x1024xf32, #tpu.memory_space<hbm>> -> memref<16x1024xf32, #tpu.memory_space<hbm>>
      %dma_wait3A_362 = arith.constant 0 : i32
      %dma_wait3A_363 = tpu.memref_slice %arg2[%add3A_359, %dma_wait3A_362] : memref<32768x1024xf32, #tpu.memory_space<hbm>> -> memref<16x1024xf32, #tpu.memory_space<hbm>>
      tpu.wait_dma2 semaphore(%arg14 : memref<!tpu.dma_semaphore, #tpu.memory_space<semaphore_mem>>) src(%dma_wait3A_363 : memref<16x1024xf32, #tpu.memory_space<hbm>>) dst(%arg8 : memref<16x1024xf32, #tpu.memory_space<vmem>>)
      %parallel_loop3A_364 = arith.constant 0 : i32
      %parallel_loop3A_365 = arith.constant 512 : i32
      %parallel_loop3A_366 = arith.constant 1 : i32
      scf.for %parallel_loop3A_376 = %parallel_loop3A_364 to %parallel_loop3A_365 step %parallel_loop3A_366  : i32 {
        %parallel_loop3A_377 = arith.constant 5 : i32
        %parallel_loop3A_378 = arith.shrsi %parallel_loop3A_376, %parallel_loop3A_377 : i32
        %parallel_loop3A_379 = arith.constant 31 : i32
        %parallel_loop3A_380 = arith.andi %parallel_loop3A_376, %parallel_loop3A_379 : i32
        %parallel_loop3A_381 = arith.constant 32 : i32
        %parallel_loop3A_382 = arith.muli %parallel_loop3A_380, %parallel_loop3A_381 : i32
        %parallel_loop3A_383 = arith.constant 0 : i32
        %parallel_loop3A_384 = arith.addi %parallel_loop3A_382, %parallel_loop3A_383 : i32
        %parallel_loop3A_385 = arith.index_cast %parallel_loop3A_378 : i32 to index
        %parallel_loop3A_386 = arith.index_cast %parallel_loop3A_384 : i32 to index
        %parallel_loop3A_387 = tpu.vector_load %arg10[%parallel_loop3A_385, %parallel_loop3A_386] {strides = array<i32>} : memref<16x1024xf32, #tpu.memory_space<vmem>>, vector<1x16xf32>,
        %parallel_loop3A_388 = vector.shape_cast %parallel_loop3A_387 : vector<1x16xf32> to vector<16xf32>
        %parallel_loop3A_389 = arith.index_cast %parallel_loop3A_378 : i32 to index
        %parallel_loop3A_390 = arith.index_cast %parallel_loop3A_384 : i32 to index
        %parallel_loop3A_391 = tpu.vector_load %arg8[%parallel_loop3A_389, %parallel_loop3A_390] {strides = array<i32>} : memref<16x1024xf32, #tpu.memory_space<vmem>>, vector<1x16xf32>,
        %parallel_loop3A_392 = vector.shape_cast %parallel_loop3A_391 : vector<1x16xf32> to vector<16xf32>
        %parallel_loop3A_393 = vector.shape_cast %parallel_loop3A_388 : vector<16xf32> to vector<1x16xf32>
        tpu.vector_store %arg8[%parallel_loop3A_389, %parallel_loop3A_390], %parallel_loop3A_393 {add = true, strides = array<i32>} : memref<16x1024xf32, #tpu.memory_space<vmem>>, vector<1x16xf32>,
        %parallel_loop3A_394 = arith.constant 16 : i32
        %parallel_loop3A_395 = arith.addi %parallel_loop3A_382, %parallel_loop3A_394 : i32
        %parallel_loop3A_396 = arith.index_cast %parallel_loop3A_378 : i32 to index
        %parallel_loop3A_397 = arith.index_cast %parallel_loop3A_395 : i32 to index
        %parallel_loop3A_398 = tpu.vector_load %arg10[%parallel_loop3A_396, %parallel_loop3A_397] {strides = array<i32>} : memref<16x1024xf32, #tpu.memory_space<vmem>>, vector<1x16xf32>,
        %parallel_loop3A_399 = vector.shape_cast %parallel_loop3A_398 : vector<1x16xf32> to vector<16xf32>
        %parallel_loop3A_400 = arith.index_cast %parallel_loop3A_378 : i32 to index
        %parallel_loop3A_401 = arith.index_cast %parallel_loop3A_395 : i32 to index
        %parallel_loop3A_402 = tpu.vector_load %arg8[%parallel_loop3A_400, %parallel_loop3A_401] {strides = array<i32>} : memref<16x1024xf32, #tpu.memory_space<vmem>>, vector<1x16xf32>,
        %parallel_loop3A_403 = vector.shape_cast %parallel_loop3A_402 : vector<1x16xf32> to vector<16xf32>
        %parallel_loop3A_404 = vector.shape_cast %parallel_loop3A_399 : vector<16xf32> to vector<1x16xf32>
        tpu.vector_store %arg8[%parallel_loop3A_400, %parallel_loop3A_401], %parallel_loop3A_404 {add = true, strides = array<i32>} : memref<16x1024xf32, #tpu.memory_space<vmem>>, vector<1x16xf32>,
      } {sc.loop_unroll_factor = 1 : i64, sc.parallel_access}
      %add3A_367 = arith.constant 24576 : i32
      %add3A_368 = arith.addi %add3A_367, %mul3A_2 : i32
      %mul3A_369 = arith.constant 16 : i32
      %mul3A_370 = arith.muli %add3A_347, %mul3A_369 : i32
      %add3A_371 = arith.addi %add3A_368, %mul3A_370 : i32
      %dma_start3A_372 = arith.constant 0 : i32
      %dma_start3A_373 = tpu.memref_slice %arg4[%add3A_371, %dma_start3A_372] : memref<32768x1024xf32, #tpu.memory_space<hbm>> -> memref<16x1024xf32, #tpu.memory_space<hbm>>
      %dma_start3A_374 = arith.constant 0 : i32
      %dma_start3A_375 = tpu.memref_slice %arg4[%add3A_371, %dma_start3A_374] : memref<32768x1024xf32, #tpu.memory_space<hbm>> -> memref<16x1024xf32, #tpu.memory_space<hbm>>
      tpu.enqueue_dma source(%arg8 : memref<16x1024xf32, #tpu.memory_space<vmem>>) target(%dma_start3A_375 : memref<16x1024xf32, #tpu.memory_space<hbm>>) target_semaphore(%arg18 : memref<!tpu.dma_semaphore, #tpu.memory_space<semaphore_mem>>)
    }
    %scan3A_28 = arith.constant 8 : i32
    %add3A_29 = arith.constant 0 : i32
    %add3A_30 = arith.addi %add3A_29, %mul3A_2 : i32
    %add3A_31 = arith.constant 0 : i32
    %add3A_32 = arith.addi %add3A_30, %add3A_31 : i32
    %dma_wait3A = arith.constant 0 : i32
    %dma_wait3A_33 = tpu.memref_slice %arg4[%add3A_32, %dma_wait3A] : memref<32768x1024xf32, #tpu.memory_space<hbm>> -> memref<16x1024xf32, #tpu.memory_space<hbm>>
    %dma_wait3A_34 = arith.constant 0 : i32
    %dma_wait3A_35 = tpu.memref_slice %arg4[%add3A_32, %dma_wait3A_34] : memref<32768x1024xf32, #tpu.memory_space<hbm>> -> memref<16x1024xf32, #tpu.memory_space<hbm>>
    tpu.wait_dma2 semaphore(%arg17 : memref<!tpu.dma_semaphore, #tpu.memory_space<semaphore_mem>>) src(%arg7 : memref<16x1024xf32, #tpu.memory_space<vmem>>) dst(%dma_wait3A_35 : memref<16x1024xf32, #tpu.memory_space<hbm>>)
    %add3A_36 = arith.constant 0 : i32
    %add3A_37 = arith.addi %add3A_36, %mul3A_2 : i32
    %add3A_38 = arith.constant 0 : i32
    %add3A_39 = arith.addi %add3A_37, %add3A_38 : i32
    %dma_wait3A_40 = arith.constant 0 : i32
    %dma_wait3A_41 = tpu.memref_slice %arg4[%add3A_39, %dma_wait3A_40] : memref<32768x1024xf32, #tpu.memory_space<hbm>> -> memref<16x1024xf32, #tpu.memory_space<hbm>>
    %dma_wait3A_42 = arith.constant 0 : i32
    %dma_wait3A_43 = tpu.memref_slice %arg4[%add3A_39, %dma_wait3A_42] : memref<32768x1024xf32, #tpu.memory_space<hbm>> -> memref<16x1024xf32, #tpu.memory_space<hbm>>
    tpu.wait_dma2 semaphore(%arg18 : memref<!tpu.dma_semaphore, #tpu.memory_space<semaphore_mem>>) src(%arg8 : memref<16x1024xf32, #tpu.memory_space<vmem>>) dst(%dma_wait3A_43 : memref<16x1024xf32, #tpu.memory_space<hbm>>)
    return
  }
}

</mosaic_0001>

<sc_bundles>
// kernel: kernel.3.cloned.1.call-start
scs
__scs_entry_jumppad:
0x0: {  	(pc) =	sbr.rel $0x88, $3  }
0x1: {  	(tag) =	ssettag $0x0;
	lr =	simm.s32 $0x1  }
0x2: {  	[smem:$0x3F9F] =	sst lr;
	_ =	strace $0xD0000000  }
0x3: {  	_ = 	snop  }
0x4: {  	_ = 	snop  }
0x5: {  	_ = 	snop  }
0x6: {  	_ = 	snop  }
0x7: {  	_ = 	snop  }
__scs_overlays_trampoline_lowered:
0x8: {  	[smem:$0x3FAE] =	sst s0  }
0x9: {  	[smem:$0x3FAF] =	sst s1  }
0xa: {  	[smem:$0x3FB0] =	sst s2  }
0xb: {  	[smem:$0x3FB1] =	sst s3  }
0xc: {  	[smem:$0x3FB2] =	sst s4  }
0xd: {  	[smem:$0x3FB3] =	sst s5  }
0xe: {  	[smem:$0x3FB4] =	sst s6  }
0xf: {  	[smem:$0x3FB5] =	sst s7  }
0x10: {  	[smem:$0x3FB6] =	sst s8  }
0x11: {  	[smem:$0x3FB7] =	sst s9;
	s0 =	simm.s32 @!p0 $0x0  }
0x12: {  	s1 =	sld [smem:$0x3F9D];
	s0 =	simm.s32 @p0 $0x1  }
0x13: {  	[smem:$0x3FB8] =	sst s0;
	s0 =	simm.s32 @!p1 $0x0  }
0x14: {  	s2 =	sld [smem:$0x3F9C];
	s0 =	simm.s32 @p1 $0x1  }
0x15: {  	[smem:$0x3FB9] =	sst s0;
	s0 =	simm.s32 @!p2 $0x0  }
0x16: {  	s3 =	sld [smem:$0x3FDB];
	s0 =	simm.s32 @p2 $0x1  }
0x17: {  	s4 =	simm.s32 $0x1BF5;
	[smem:$0x3FBB] =	sst s0  }
0x18: {  	s0 =	sld [smem:$0x3F9E];
	_ =	swait.ge [sflag:s4], $0x0  }
0x19: {  	s7 =	sld [smem:$0x3F9F]  }
0x1a: {  	s8 =	sadd.s32 $0xFFFFE003, lr  }
0x1b: {  	s9 =	sadd.s32 $0xFFFFFEF7, lr;
	s5 =	simm.s32 $0xFFFFFFFF;
	p2 =	slt.u32 s8, $0xFFFFF086  }
0x1c: {  	p1 =	slt.u32 s9, $0xF7A;
	s5 =	simm.s32 @!p2 $0x0  }
0x1d: {  	s5 =	simm.s32 @p1 $0x1;
	p0 =	seq.s32 s7, s2  }
0x1e: {  	s7 =	smul.u32 @!p0 $0xF7A, s2;
	p2 =	seq.s32 @!p0 s5, $0x0  }
0x1f: {  	s9 =	smul.u32 $0xF7A, s1;
	s8 =	simm.s32 @!p0 $0x1BF5;
	p2 =	por !p2, p0  }
0x20: {  	[sflag:s8] =	ssyncset.s32 @!p0 $0xFFFFF086;
	s6 =	sadd.s32 @!p0 s3, s7;
	s7 =	simm.s32 @!p0 $0x108  }
0x21: {  	s3 =	sadd.s32 s3, s9;
	s6 =	sadd.s32 @!p0 $0x88, s6;
	s7 =	simm.s32 @p2 $0x1082  }
0x22: {  	[simem:s7], [sflag:s8] =	dma.local @!p0 [hbm:s6], $0xF7A  }
0x23: {  	s9 =	sor.u32 $0xD0000000, s2;
	s6 =	simm.s32 $0x108;
	_ =	swait.ge @!p0 [sflag:s8], $0x0  }
0x24: {  	s3 =	sadd.s32 $0x88, s3;
	s6 =	simm.s32 @!p1 $0x1082;
	[sflag:s4] =	ssyncset.s32 $0xFFFFF086  }
0x25: {  	[simem:s6], [sflag:s4] =	dma.local [hbm:s3], $0xF7A  }
0x26: {  	[smem:$0x3F9F] =	sst s1;
	(tag) =	ssettag s2;
	_ =	strace s9  }
0x27: {  	s1 =	sld [smem:$0x3FAF]  }
0x28: {  	s2 =	sld [smem:$0x3FB0]  }
0x29: {  	s4 =	sld [smem:$0x3FB2]  }
0x2a: {  	p0 =	seq.s32 s5, $0x0;
	s5 =	sld [smem:$0x3FB3]  }
0x2b: {  	s6 =	sld [smem:$0x3FB4]  }
0x2c: {  	s7 =	sld [smem:$0x3FB5]  }
0x2d: {  	s3 =	simm.s32 $0x108;
	s8 =	sld [smem:$0x3FB6]  }
0x2e: {  	s3 =	simm.s32 @!p0 $0x1082;
	s9 =	sld [smem:$0x3FB7]  }
0x2f: {  	lr =	sadd.s32 s0, s3;
	s0 =	sld [smem:$0x3FAE]  }
0x30: {  	s3 =	sld [smem:$0x3FB1]  }
0x31: {  	[smem:$0x3FBA] =	sst s10  }
0x32: {  	s10 =	sld [smem:$0x3FB8];
	_ =	sdelay $0x3  }
0x33: {  	p0 =	seq.s32 s10, $0x1;
	s10 =	sld [smem:$0x3FBA];
	_ =	sdelay $0x3  }
0x34: {  	[smem:$0x3FBA] =	sst s10  }
0x35: {  	s10 =	sld [smem:$0x3FB9];
	_ =	sdelay $0x3  }
0x36: {  	p1 =	seq.s32 s10, $0x1;
	s10 =	sld [smem:$0x3FBA];
	_ =	sdelay $0x3  }
0x37: {  	[smem:$0x3FBA] =	sst s10  }
0x38: {  	s10 =	sld [smem:$0x3FBB]  }
0x39: {  	_ = 	snop;
	(pc) =	sbr.ind lr, $3  }
0x3a: {  	_ = 	snop  }
0x3b: {  	_ = 	snop  }
0x3c: {  	p2 =	seq.s32 s10, $0x1;
	s10 =	sld [smem:$0x3FBA]  }
0x3d: {  	_ =	shalt  }
0x3e: {  	_ =	shalt  }
0x3f: {  	_ =	shalt  }
0x40: {  	_ =	shalt  }
0x41: {  	_ =	shalt  }
0x42: {  	_ =	shalt  }
0x43: {  	_ =	shalt  }
0x44: {  	_ =	shalt  }
0x45: {  	_ =	shalt  }
0x46: {  	_ =	shalt  }
0x47: {  	_ =	shalt  }
0x48: {  	_ =	shalt  }
0x49: {  	_ =	shalt  }
0x4a: {  	_ =	shalt  }
0x4b: {  	_ =	shalt  }
0x4c: {  	_ =	shalt  }
0x4d: {  	_ =	shalt  }
0x4e: {  	_ =	shalt  }
0x4f: {  	_ =	shalt  }
0x50: {  	_ =	shalt  }
0x51: {  	_ =	shalt  }
0x52: {  	_ =	shalt  }
0x53: {  	_ =	shalt  }
0x54: {  	_ =	shalt  }
0x55: {  	_ =	shalt  }
0x56: {  	_ =	shalt  }
0x57: {  	_ =	shalt  }
0x58: {  	_ =	shalt  }
0x59: {  	_ =	shalt  }
0x5a: {  	_ =	shalt  }
0x5b: {  	_ =	shalt  }
0x5c: {  	_ =	shalt  }
0x5d: {  	_ =	shalt  }
0x5e: {  	_ =	shalt  }
0x5f: {  	_ =	shalt  }
0x60: {  	_ =	shalt  }
0x61: {  	_ =	shalt  }
0x62: {  	_ =	shalt  }
0x63: {  	_ =	shalt  }
0x64: {  	_ =	shalt  }
0x65: {  	_ =	shalt  }
0x66: {  	_ =	shalt  }
0x67: {  	_ =	shalt  }
0x68: {  	_ =	shalt  }
0x69: {  	_ =	shalt  }
0x6a: {  	_ =	shalt  }
0x6b: {  	_ =	shalt  }
0x6c: {  	_ =	shalt  }
0x6d: {  	_ =	shalt  }
0x6e: {  	_ =	shalt  }
0x6f: {  	_ =	shalt  }
0x70: {  	_ =	shalt  }
0x71: {  	_ =	shalt  }
0x72: {  	_ =	shalt  }
0x73: {  	_ =	shalt  }
0x74: {  	_ =	shalt  }
0x75: {  	_ =	shalt  }
0x76: {  	_ =	shalt  }
0x77: {  	_ =	shalt  }
0x78: {  	_ =	shalt  }
0x79: {  	_ =	shalt  }
0x7a: {  	_ =	shalt  }
0x7b: {  	_ =	shalt  }
0x7c: {  	_ =	shalt  }
0x7d: {  	_ =	shalt  }
0x7e: {  	_ =	shalt  }
0x7f: {  	_ =	shalt  }
0x80: {  	_ =	shalt  }
0x81: {  	_ =	shalt  }
0x82: {  	_ =	shalt  }
0x83: {  	_ =	shalt  }
0x84: {  	_ =	shalt  }
0x85: {  	_ =	shalt  }
0x86: {  	_ =	shalt  }
0x87: {  	_ =	shalt  }
.Lfunc_end0:
.L_simem_size_0:
called_computation_lowered:
.L_overlay_start_0:
0x88: {  	s2 =	sld [smem:$0x3FD9]  }
0x89: {  	s3 =	sld [smem:$0x3FFE];
	_ =	sdelay $0x1  }
0x8a: {  	s1 =	srdreg.scid  }
0x8b: {  	s0 =	sand.u32 $0x1, s1  }
0x8c: {  	s18 =	sshll.u32 s0, $0xA;
	s2 =	sadd.s32 s3, s2  }
0x8d: {  	s2 =	sadd.s32 s2, s18  }
0x8e: {  	[smem:$0x3FC6] =	sst s2  }
0x8f: {  	_ = 	snop  }
0x90: {  	s2 =	sld [smem:$0x3FC9]  }
0x91: {  	s19 =	sld [smem:$0x3FC8]  }
0x92: {  	s4 =	sld [smem:$0x3FD0];
	(tm) =	ssettm $0x1  }
0x93: {  	s5 =	sld [smem:$0x3FFB];
	_ =	sdelay $0x3  }
0x94: {  	_ =	strace s5  }
0x95: {  	s5 =	sld [smem:$0x3FFC];
	_ =	sdelay $0x3  }
0x96: {  	_ =	strace s5  }
0x97: {  	s5 =	sld [smem:$0x3FFD];
	_ =	sdelay $0x3  }
0x98: {  	_ =	strace s5  }
0x99: {  	_ =	strace $0x8FFFFFFF  }
0x9a: {  	s20 =	sld [smem:$0x3FDB];
	_ =	sdelay $0x1  }
0x9b: {  	s6 =	simm.s32 $_scs_section_size  }
0x9c: {  	s7 =	simm.s32 $_size__tile_overlayer_lowered;
	s8 =	simm.s32 $_tile_overlayer_lowered  }
0x9d: {  	s23 =	simm.s32 $0x1BFF;
	s22 =	sshll.u32 s8, $0x1;
	s5 =	sadd.s32 s6, s20  }
0x9e: {  	s9 =	simm.s32 $0x0;
	s21 =	sshll.u32 s7, $0x1;
	s7 =	sadd.s32 s22, s5  }
0x9f: {  	[timem:s9], [sflag:s23] =	dma.local [hbm:s7], s21  }
0xa0: {  	_ =	swait.ge [sflag:s23], s21  }
0xa1: {  	s6 =	ssub.s32 $0x0, s21;
	[sflag:s23] =	ssyncset.done $0x0  }
0xa2: {  	[sflag:s23] =	ssyncadd.s32 s6;
	_ =	sdelay $0x1  }
0xa3: {  	s24 =	simm.s32 $0x1B8B  }
0xa4: {  	_ =	swait.ge [sflag:s24], $0x1  }
0xa5: {  	[sflag:s24] =	ssyncset.done $0x0  }
0xa6: {  	s25 =	simm.s32 $0x1B8E;
	[sflag:s24] =	ssyncadd.s32 $0xFFFFFFFF  }
0xa7: {  	s26 =	simm.s32 $execute0_lowered;
	[smem:$0x3FD2] =	sst s25  }
0xa8: {  	s6 =	sshll.u32 s26, $0x1;
	_ =	strace $0x80000046;
	[dreg:$0x1] =	wrdreg $0xFFFFFFFF  }
0xa9: {  	s28 =	simm.s32 $_size_execute0_lowered;
	s5 =	sadd.s32 s5, s6;
	[dreg:$0x0] =	wrdreg $0x0  }
0xaa: {  	s6 =	sshll.u32 s28, $0x1;
	[dreg:$0x2] =	wrdreg s5  }
0xab: {  	[dreg:$0x3] =	wrdreg s6  }
0xac: {  	[dreg:$0x4] =	wrdreg $0xC0  }
0xad: {  	_ =	task [dreg:s9], $0x5FFFF  }
0xae: {  	[dreg:$0x1] =	wrdreg $0xFFFFFFFF  }
0xaf: {  	[dreg:$0x0] =	wrdreg $0x60  }
0xb0: {  	[dreg:$0x2] =	wrdreg s2  }
0xb1: {  	[dreg:$0x3] =	wrdreg s19  }
0xb2: {  	[dreg:$0x4] =	wrdreg s4  }
0xb3: {  	[dreg:$0x5] =	wrdreg $0x9  }
0xb4: {  	_ =	task.clear_ibuf [dreg:s9], $0x6FFFF;
	_ =	strace $0x90000046  }
0xb5: {  	s29 =	simm.s32 $0x9;
	_ =	strace $0x80000048  }
0xb6: {  	_ =	swait.ge [sflag:s29], $0x1  }
0xb7: {  	[sflag:s29] =	ssyncadd.s32 $0xFFFFFFFF  }
0xb8: {  	_ =	strace $0x90000048  }
0xb9: {  	_ =	sfence  }
0xba: {  	s30 =	sld [smem:$0x0];
	_ =	sdelay $0x2  }
0xbb: {  	s31 =	sshll.u32 s1, $0xD;
	s1 =	sshrl.u32 s1, $0x2  }
0xbc: {  	s3 =	sand.u32 $0x4000, s31;
	s1 =	sadd.s32 s1, s30  }
0xbd: {  	s0 =	sor.u32 s3, s0;
	s1 =	sshll.u32 s1, $0x11  }
0xbe: {  	s0 =	sor.u32 s1, s0  }
0xbf: {  	s0 =	sadd.s32 $0x8F2B, s0  }
0xc0: {  	[sflag:s0] =	ssyncadd.remote.s32 $0x1  }
0xc1: {  	_ =	sfence.sel $0xFFFF  }
0xc2: {  	[dreg:$0x0] =	wrdreg $0xFFFFFFFF;
	(pc) =	sbr.abs _section_cstart, $3  }
0xc3: {  	[dreg:$0x1] =	wrdreg $0xFFFFFFFF  }
0xc4: {  	_ =	task.clear_ibuf [dreg:s9], $0x2FFFF;
	_ =	strace $0x9FFFFFFF  }
0xc5: {  	(tm) =	ssettm $0x7FFFFFFF  }
tec
execute0_lowered:
.L_overlay_start_1:
0x0: {  	(tag) =	ssettag $0x1  }
0x1: {  	s1 =	rddreg [dreg:$0x0]  }
0x2: {  	s28 =	rddreg [dreg:$0x1]  }
0x3: {  	s3 =	rddreg [dreg:$0x2];
	s5 =	simm.s32 $0x0;
	s0 =	srdreg.scid  }
0x4: {  	s4 =	stileid.u32;
	s19 =	simm.s32 $0x8000;
	s20 =	simm.s32 $0x1  }
0x5: {  	s21 =	simm.s32 $0xC000;
	s22 =	simm.s32 $0x2;
	s0 =	sand.u32 $0x1, s0  }
0x6: {  	s30 =	simm.s32 $0x8;
	[smem:$0x7FF] =	sst s5;
	s2 =	ssub.s32 $0x2, s0  }
0x7: {  	s4 =	sshll.u32 s4, $0x9;
	s0 =	sshll.u32 s0, $0x8;
	s7 =	sshrl.u32 s2, $0x1  }
0x8: {  	_ =	strace $0x80000047;
	s6 =	sor.u32 s0, s4;
	s24 =	ssub.s32 s2, s7  }
0x9: {  	s25 =	sshll.u32 s6, $0x7;
	s7 =	sor.u32 $0x2000, s6;
	s31 =	sor.u32 $0x20, s6  }
0xa: {  	s11 =	sor.u32 $0x4000, s6;
	s26 =	sadd.s32 s28, s25;
	[dreg:$0x7] =	wrdreg s31  }
0xb: {  	s12 =	sor.u32 $0x6000, s6;
	s2 =	sadd.s32 s1, s25;
	[dreg:$0x4] =	wrdreg s26  }
0xc: {  	s29 =	sshll.u32 s7, $0x7;
	s0 =	smax.u32 s24, $0x1;
	[dreg:$0x5] =	wrdreg s2  }
0xd: {  	s24 =	simm.s32 $0x3;
	s2 =	sadd.s32 s1, s29;
	[dreg:$0x8] =	wrdreg s0  }
0xe: {  	s26 =	simm.s32 $0x4;
	[dreg:$0x6] =	wrdreg s2;
	s2 =	simm.s32 $0x0  }
.LBB2_1:
0xf: {  	[dreg:$0x9] =	wrdreg s2  }
0x10: {  	s0 =	rddreg [dreg:$0x4];
	s23 =	simm.s32 $0x10000  }
0x11: {  	[tilespmem:s23], [sflag:$0x9] =	stream.linear.gather [hbm4b:s0+s5], $0x4000, $0x38;
	[tilespmem:$0x18000] =	vst v63  }
0x12: {  	s25 =	rddreg [dreg:$0x5]  }
0x13: {  	[tilespmem:s5], [sflag:$0x1] =	stream.linear.gather [hbm4b:s25+s5], $0x4000, $0x38;
	[tilespmem:$0x18000] =	vst v63  }
0x14: {  	s29 =	rddreg [dreg:$0x6];
	s31 =	simm.s32 $0x4000;
	s0 =	simm.s32 $0x0  }
0x15: {  	[tilespmem:s31], [sflag:$0x2] =	stream.linear.gather [hbm4b:s29+s5], $0x4000, $0x38;
	[tilespmem:$0x18000] =	vst v63  }
.LBB2_2:
0x16: {  	s14 =	sshll.u32 s0, $0x5  }
0x17: {  	s15 =	sor.u32 $0x10, s14  }
0x18: {  	s2 =	sor.u32 s6, s15  }
0x19: {  	s8 =	sshll.u32 s2, $0x7  }
0x1a: {  	s4 =	simm.s32 $0x14000;
	s18 =	simm.s32 $0x9;
	s2 =	sadd.s32 s28, s8  }
0x1b: {  	[tilespmem:s4], [sflag:$0xA] =	stream.linear.gather [hbm4b:s2+s5], $0x4000, $0x38;
	[tilespmem:$0x18000] =	vst v63  }
0x1c: {  	s29 =	smov.u32 s28;
	p0 =	seq.s32 s0, $0x0;
	_ =	swait.ge [sflag:s18], $0x4000  }
0x1d: {  	s9 =	simm.s32 $0x0;
	s10 =	simm.s32 $0x0;
	[sflag:s18] =	ssyncset.done $0x0  }
0x1e: {  	s23 =	sor.u32 s11, s14;
	s2 =	simm.s32 @!p0 $0x7;
	[sflag:s18] =	ssyncadd.s32 $0xFFFFC000  }
0x1f: {  	s16 =	simm.s32 $0x20;
	s17 =	sshll.u32 s23, $0x7;
	_ =	swait.ge @!p0 [sflag:s2], $0x4000  }
0x20: {  	s25 =	sadd.s32 s1, s17;
	s28 =	simm.s32 $0x0;
	[sflag:s2] =	ssyncset.done @!p0 $0x0  }
0x21: {  	s31 =	sand.u32 $0x60, s28;
	s4 =	sand.u32 $0x1C00, s28;
	[sflag:s2] =	ssyncadd.s32 @!p0 $0xFFFFC000  }
0x22: {  	[tilespmem:s19], [sflag:$0x3] =	stream.linear.gather [hbm4b:s25+s28], $0x4000, $0x38;
	[tilespmem:$0x18000] =	vst v63  }
0x23: {  	s9 =	sand.u32 $0x2000, s9;
	s2 =	sor.u32 s31, s4;
	_ =	swait.ge [sflag:s20], $0x4000  }
0x24: {  	s13 =	sand.u32 $0x380, s10;
	s2 =	sor.u32 s9, s2;
	[sflag:s20] =	ssyncset.done $0x0  }
0x25: {  	s18 =	simm.s32 $0x100;
	s23 =	sor.u32 s13, s2;
	[sflag:s20] =	ssyncadd.s32 $0xFFFFC000  }
0x26: {  	s4 =	sand.u32 $0x1C00, s18;
	s25 =	simm.s32 $0x20;
	s2 =	sand.u32 $0x60, s16;
	v2 =	vld [tilespmem:s23+$0x10000]  }
0x27: {  	s28 =	simm.s32 $0x4;
	s9 =	sand.u32 $0x2000, s25;
	s2 =	sor.u32 s2, s4  }
0x28: {  	s31 =	sand.u32 $0x380, s28;
	s2 =	sor.u32 s9, s2;
	v0 =	vld [tilespmem:s23+$0x10010]  }
0x29: {  	s13 =	sor.u32 s31, s2  }
0x2a: {  	s10 =	simm.s32 $0x40;
	s18 =	simm.s32 $0x200;
	s4 =	sshll.u32 s0, $0x1;
	v1 =	vld [tilespmem:s13+$0x10000]  }
0x2b: {  	s9 =	simm.s32 $0x2;
	s2 =	sadd.s32 s6, s14;
	[tilespmem:s23+$0x0] =	vst.add.f32.msk $0xffff, v2;
	s23 =	sor.u32 $0x10, s23  }
.LBB2_3:
0x2c: {  	s31 =	sand.u32 $0x60, s10;
	s16 =	sshll.u32 s9, $0x5  }
0x2d: {  	s25 =	sand.u32 $0x1C00, s18;
	[tilespmem:s23+$0x0] =	vst.add.f32.msk $0xffff, v0;
	s23 =	sshll.u32 s9, $0x2;
	p1 =	sne.s32 s9, $0x1FF  }
.Ltmp0:
0x2e: {  	s16 =	sand.u32 $0x2000, s16;
	s25 =	sor.u32 s31, s25;
	v0 =	vld [tilespmem:s13+$0x10010];
	(pc) =	sbr.rel @p1 .LBB2_3-.Ltmp0, $4  }
0x2f: {  	s23 =	sand.u32 $0x380, s23;
	s16 =	sor.u32 s16, s25;
	s25 =	smov.u32 s13  }
0x30: {  	s9 =	sadd.s32 $0x1, s9;
	s13 =	sor.u32 s23, s16;
	v2 =	vmov v1  }
0x31: {  	v1 =	vld [tilespmem:s13+$0x10000]  }
0x32: {  	s10 =	sadd.s32 $0x20, s10;
	s18 =	sadd.s32 $0x100, s18;
	s23 =	sor.u32 $0x10, s25;
	[tilespmem:s25+$0x0] =	vst.add.f32.msk $0xffff, v2  }
0x33: {  	v2 =	vld [tilespmem:s13+$0x10010];
	_ =	sdelay $0x2  }
0x34: {  	[tilespmem:s23+$0x0] =	vst.add.f32.msk $0xffff, v0  }
0x35: {  	s9 =	sor.u32 $0x10, s13;
	s2 =	sshll.u32 s2, $0x7;
	[tilespmem:s13+$0x0] =	vst.add.f32.msk $0xffff, v1  }
0x36: {  	s16 =	sor.u32 s12, s14;
	s2 =	sadd.s32 s3, s2;
	[tilespmem:s9+$0x0] =	vst.add.f32.msk $0xffff, v2  }
0x37: {  	[hbm4b:s2+s5] =	stream.linear.scatter [tilespmem:s5], [sflag:$0x5], $0x4000, $0x38;
	[tilespmem:$0x18000] =	vst v63  }
0x38: {  	s23 =	simm.s32 $0x0;
	s10 =	simm.s32 $0x0;
	s2 =	simm.s32 @!p0 $0x8  }
0x39: {  	s28 =	simm.s32 $0x0;
	s31 =	sshll.u32 s16, $0x7;
	_ =	swait.ge @!p0 [sflag:s2], $0x4000  }
0x3a: {  	s25 =	sand.u32 $0x60, s23;
	s10 =	sand.u32 $0x2000, s10;
	[sflag:s2] =	ssyncset.done @!p0 $0x0  }
0x3b: {  	s18 =	sadd.s32 s1, s31;
	s9 =	sand.u32 $0x1C00, s23;
	[sflag:s2] =	ssyncadd.s32 @!p0 $0xFFFFC000  }
0x3c: {  	[tilespmem:s21], [sflag:$0x4] =	stream.linear.gather [hbm4b:s18+s23], $0x4000, $0x38;
	[tilespmem:$0x18000] =	vst v63  }
0x3d: {  	s16 =	sand.u32 $0x380, s28;
	s2 =	sor.u32 s25, s9;
	_ =	swait.ge [sflag:s22], $0x4000  }
0x3e: {  	s2 =	sor.u32 s10, s2;
	s18 =	simm.s32 $0x20;
	[sflag:s22] =	ssyncset.done $0x0  }
0x3f: {  	s23 =	simm.s32 $0x100;
	s16 =	sor.u32 s16, s2;
	[sflag:s22] =	ssyncadd.s32 $0xFFFFC000  }
0x40: {  	s25 =	simm.s32 $0x20;
	s2 =	sand.u32 $0x60, s18;
	s9 =	sand.u32 $0x1C00, s23;
	v0 =	vld [tilespmem:s16+$0x10000]  }
0x41: {  	s28 =	simm.s32 $0x4;
	s10 =	sand.u32 $0x2000, s25;
	s2 =	sor.u32 s2, s9  }
0x42: {  	s25 =	simm.s32 $0x200;
	s18 =	sand.u32 $0x380, s28;
	s2 =	sor.u32 s10, s2  }
0x43: {  	s23 =	simm.s32 $0x40;
	s13 =	sand.u32 $0x1C00, s25;
	s2 =	sor.u32 s18, s2  }
0x44: {  	s9 =	sor.u32 $0x4000, s16;
	s10 =	sand.u32 $0x60, s23;
	s18 =	simm.s32 $0x40;
	v2 =	vld [tilespmem:s2+$0x10000]  }
0x45: {  	s28 =	simm.s32 $0x8;
	s10 =	sor.u32 s10, s13;
	s18 =	sand.u32 $0x2000, s18;
	[tilespmem:s9+$0x0] =	vst.add.f32.msk $0xffff, v0  }
0x46: {  	s25 =	sand.u32 $0x380, s28;
	s10 =	sor.u32 s18, s10;
	v0 =	vld [tilespmem:s16+$0x10010]  }
0x47: {  	s13 =	sor.u32 s25, s10  }
0x48: {  	s23 =	sor.u32 $0x4010, s16;
	s28 =	sor.u32 $0x4000, s2;
	v1 =	vld [tilespmem:s13+$0x10000]  }
0x49: {  	s18 =	simm.s32 $0x300;
	s10 =	simm.s32 $0x60;
	s9 =	simm.s32 $0x3;
	[tilespmem:s28+$0x0] =	vst.add.f32.msk $0xffff, v2  }
.LBB2_5:
0x4a: {  	s16 =	sand.u32 $0x60, s10;
	s25 =	sshll.u32 s9, $0x5  }
0x4b: {  	s28 =	sand.u32 $0x1C00, s18;
	[tilespmem:s23+$0x0] =	vst.add.f32.msk $0xffff, v0;
	p0 =	sne.s32 s9, $0x1FF;
	s23 =	sand.u32 $0x2000, s25  }
.Ltmp1:
0x4c: {  	s25 =	sshll.u32 s9, $0x2;
	s16 =	sor.u32 s16, s28;
	v0 =	vld [tilespmem:s2+$0x10010];
	(pc) =	sbr.rel @p0 .LBB2_5-.Ltmp1, $4  }
0x4d: {  	s25 =	sand.u32 $0x380, s25;
	s16 =	sor.u32 s23, s16;
	s23 =	smov.u32 s2  }
0x4e: {  	s9 =	sadd.s32 $0x1, s9;
	s16 =	sor.u32 s25, s16;
	v2 =	vmov v1  }
0x4f: {  	s2 =	smov.u32 s13;
	s25 =	sor.u32 $0x4000, s13;
	v1 =	vld [tilespmem:s16+$0x10000];
	s13 =	smov.u32 s16  }
0x50: {  	s10 =	sadd.s32 $0x20, s10;
	s18 =	sadd.s32 $0x100, s18;
	s23 =	sor.u32 $0x4010, s23;
	[tilespmem:s25+$0x0] =	vst.add.f32.msk $0xffff, v2  }
0x51: {  	_ =	sdelay $0x1  }
0x52: {  	v2 =	vld [tilespmem:s2+$0x10010];
	s9 =	sor.u32 $0x4000, s13  }
0x53: {  	[tilespmem:s9+$0x0] =	vst.add.f32.msk $0xffff, v1  }
0x54: {  	v1 =	vld [tilespmem:s13+$0x10010];
	_ =	sdelay $0x2  }
0x55: {  	[tilespmem:s23+$0x0] =	vst.add.f32.msk $0xffff, v0;
	s23 =	sor.u32 $0x4010, s2;
	s25 =	sadd.s32 s7, s14  }
0x56: {  	s28 =	sor.u32 $0x4010, s13;
	s10 =	simm.s32 $0x4000;
	s9 =	sshll.u32 s25, $0x7;
	[tilespmem:s23+$0x0] =	vst.add.f32.msk $0xffff, v2  }
0x57: {  	s16 =	simm.s32 $0x5;
	s9 =	sadd.s32 s3, s9;
	s13 =	simm.s32 $0x0;
	[tilespmem:s28+$0x0] =	vst.add.f32.msk $0xffff, v1  }
0x58: {  	[hbm4b:s9+s13] =	stream.linear.scatter [tilespmem:s10], [sflag:$0x6], $0x4000, $0x38;
	[tilespmem:$0x18000] =	vst v63  }
0x59: {  	s18 =	sadd.s32 s1, s8;
	s25 =	simm.s32 $0x0;
	_ =	swait.ge [sflag:s16], $0x4000  }
0x5a: {  	s23 =	sand.u32 $0x60, s13;
	s28 =	simm.s32 $0x0;
	[sflag:s16] =	ssyncset.done $0x0  }
0x5b: {  	s9 =	sand.u32 $0x1C00, s13;
	s10 =	sand.u32 $0x2000, s25;
	[sflag:s16] =	ssyncadd.s32 $0xFFFFC000  }
0x5c: {  	[tilespmem:s13], [sflag:$0x1] =	stream.linear.gather [hbm4b:s18+s13], $0x4000, $0x38;
	[tilespmem:$0x18000] =	vst v63  }
0x5d: {  	s2 =	sor.u32 s23, s9;
	s23 =	simm.s32 $0x100;
	_ =	swait.ge [sflag:s24], $0x4000  }
0x5e: {  	s2 =	sor.u32 s10, s2;
	s16 =	sand.u32 $0x380, s28;
	[sflag:s24] =	ssyncset.done $0x0  }
0x5f: {  	s16 =	sor.u32 s16, s2;
	s18 =	simm.s32 $0x20;
	[sflag:s24] =	ssyncadd.s32 $0xFFFFC000  }
0x60: {  	s25 =	simm.s32 $0x20;
	s9 =	sand.u32 $0x1C00, s23;
	s2 =	sand.u32 $0x60, s18;
	v0 =	vld [tilespmem:s16+$0x10000]  }
0x61: {  	s10 =	sand.u32 $0x2000, s25;
	s28 =	simm.s32 $0x4;
	s2 =	sor.u32 s2, s9  }
0x62: {  	s25 =	simm.s32 $0x200;
	s18 =	sand.u32 $0x380, s28;
	s2 =	sor.u32 s10, s2  }
0x63: {  	s23 =	simm.s32 $0x40;
	s13 =	sand.u32 $0x1C00, s25;
	s2 =	sor.u32 s18, s2  }
0x64: {  	s9 =	sor.u32 $0x8000, s16;
	s10 =	sand.u32 $0x60, s23;
	s18 =	simm.s32 $0x40;
	v2 =	vld [tilespmem:s2+$0x10000]  }
0x65: {  	s28 =	simm.s32 $0x8;
	s10 =	sor.u32 s10, s13;
	s18 =	sand.u32 $0x2000, s18;
	[tilespmem:s9+$0x0] =	vst.add.f32.msk $0xffff, v0  }
0x66: {  	s25 =	sand.u32 $0x380, s28;
	s10 =	sor.u32 s18, s10;
	v0 =	vld [tilespmem:s16+$0x10010]  }
0x67: {  	s13 =	sor.u32 s25, s10  }
0x68: {  	s23 =	sor.u32 $0x8010, s16;
	s28 =	sor.u32 $0x8000, s2;
	v1 =	vld [tilespmem:s13+$0x10000]  }
0x69: {  	s18 =	simm.s32 $0x300;
	s10 =	simm.s32 $0x60;
	s9 =	simm.s32 $0x3;
	[tilespmem:s28+$0x0] =	vst.add.f32.msk $0xffff, v2  }
.LBB2_7:
0x6a: {  	s16 =	sand.u32 $0x60, s10;
	s25 =	sshll.u32 s9, $0x5  }
0x6b: {  	s28 =	sand.u32 $0x1C00, s18;
	[tilespmem:s23+$0x0] =	vst.add.f32.msk $0xffff, v0;
	p0 =	sne.s32 s9, $0x1FF;
	s23 =	sand.u32 $0x2000, s25  }
.Ltmp2:
0x6c: {  	s25 =	sshll.u32 s9, $0x2;
	s16 =	sor.u32 s16, s28;
	v0 =	vld [tilespmem:s2+$0x10010];
	(pc) =	sbr.rel @p0 .LBB2_7-.Ltmp2, $4  }
0x6d: {  	s25 =	sand.u32 $0x380, s25;
	s16 =	sor.u32 s23, s16;
	s23 =	smov.u32 s2  }
0x6e: {  	s9 =	sadd.s32 $0x1, s9;
	s16 =	sor.u32 s25, s16;
	v2 =	vmov v1  }
0x6f: {  	s2 =	smov.u32 s13;
	s25 =	sor.u32 $0x8000, s13;
	v1 =	vld [tilespmem:s16+$0x10000];
	s13 =	smov.u32 s16  }
0x70: {  	s10 =	sadd.s32 $0x20, s10;
	s18 =	sadd.s32 $0x100, s18;
	s23 =	sor.u32 $0x8010, s23;
	[tilespmem:s25+$0x0] =	vst.add.f32.msk $0xffff, v2  }
0x71: {  	_ =	sdelay $0x1  }
0x72: {  	v2 =	vld [tilespmem:s2+$0x10010];
	s9 =	sor.u32 $0x8000, s13  }
0x73: {  	[tilespmem:s9+$0x0] =	vst.add.f32.msk $0xffff, v1  }
0x74: {  	v1 =	vld [tilespmem:s13+$0x10010];
	_ =	sdelay $0x2  }
0x75: {  	[tilespmem:s23+$0x0] =	vst.add.f32.msk $0xffff, v0;
	s10 =	sor.u32 $0x8010, s13;
	s9 =	sor.u32 $0x8010, s2  }
0x76: {  	s16 =	simm.s32 $0x0;
	s18 =	simm.s32 $0x4000;
	s25 =	simm.s32 $0x0;
	[tilespmem:s9+$0x0] =	vst.add.f32.msk $0xffff, v2  }
0x77: {  	s28 =	simm.s32 $0x0;
	s13 =	sadd.s32 s3, s17;
	[tilespmem:s10+$0x0] =	vst.add.f32.msk $0xffff, v1;
	s10 =	simm.s32 $0x6  }
0x78: {  	[hbm4b:s13+s16] =	stream.linear.scatter [tilespmem:s19], [sflag:$0x7], $0x4000, $0x38;
	[tilespmem:$0x18000] =	vst v63  }
0x79: {  	s23 =	sand.u32 $0x60, s16;
	s17 =	sor.u32 s7, s15;
	_ =	swait.ge [sflag:s10], $0x4000  }
0x7a: {  	s17 =	sshll.u32 s17, $0x7;
	s9 =	sand.u32 $0x1C00, s16;
	[sflag:s10] =	ssyncset.done $0x0  }
0x7b: {  	s2 =	sadd.s32 s1, s17;
	[sflag:s10] =	ssyncadd.s32 $0xFFFFC000;
	s10 =	sand.u32 $0x2000, s25  }
0x7c: {  	[tilespmem:s18], [sflag:$0x2] =	stream.linear.gather [hbm4b:s2+s16], $0x4000, $0x38;
	[tilespmem:$0x18000] =	vst v63  }
0x7d: {  	s2 =	sor.u32 s23, s9;
	s16 =	sand.u32 $0x380, s28;
	_ =	swait.ge [sflag:s26], $0x4000  }
0x7e: {  	s18 =	simm.s32 $0x20;
	s2 =	sor.u32 s10, s2;
	[sflag:s26] =	ssyncset.done $0x0  }
0x7f: {  	s23 =	simm.s32 $0x100;
	s16 =	sor.u32 s16, s2;
	[sflag:s26] =	ssyncadd.s32 $0xFFFFC000  }
0x80: {  	s25 =	simm.s32 $0x20;
	s9 =	sand.u32 $0x1C00, s23;
	s2 =	sand.u32 $0x60, s18;
	v0 =	vld [tilespmem:s16+$0x10000]  }
0x81: {  	s28 =	simm.s32 $0x4;
	s10 =	sand.u32 $0x2000, s25;
	s2 =	sor.u32 s2, s9  }
0x82: {  	s25 =	simm.s32 $0x200;
	s18 =	sand.u32 $0x380, s28;
	s2 =	sor.u32 s10, s2  }
0x83: {  	s23 =	simm.s32 $0x40;
	s13 =	sand.u32 $0x1C00, s25;
	s2 =	sor.u32 s18, s2  }
0x84: {  	s9 =	sor.u32 $0xC000, s16;
	s10 =	sand.u32 $0x60, s23;
	s18 =	simm.s32 $0x40;
	v2 =	vld [tilespmem:s2+$0x10000]  }
0x85: {  	s28 =	simm.s32 $0x8;
	s10 =	sor.u32 s10, s13;
	s18 =	sand.u32 $0x2000, s18;
	[tilespmem:s9+$0x0] =	vst.add.f32.msk $0xffff, v0  }
0x86: {  	s25 =	sand.u32 $0x380, s28;
	s10 =	sor.u32 s18, s10;
	v0 =	vld [tilespmem:s16+$0x10010]  }
0x87: {  	s13 =	sor.u32 s25, s10  }
0x88: {  	s23 =	sor.u32 $0xC010, s16;
	s28 =	sor.u32 $0xC000, s2;
	v1 =	vld [tilespmem:s13+$0x10000]  }
0x89: {  	s18 =	simm.s32 $0x300;
	s10 =	simm.s32 $0x60;
	s9 =	simm.s32 $0x3;
	[tilespmem:s28+$0x0] =	vst.add.f32.msk $0xffff, v2  }
.LBB2_9:
0x8a: {  	s16 =	sand.u32 $0x60, s10;
	s25 =	sshll.u32 s9, $0x5  }
0x8b: {  	s28 =	sand.u32 $0x1C00, s18;
	[tilespmem:s23+$0x0] =	vst.add.f32.msk $0xffff, v0;
	p0 =	sne.s32 s9, $0x1FF;
	s23 =	sand.u32 $0x2000, s25  }
.Ltmp3:
0x8c: {  	s25 =	sshll.u32 s9, $0x2;
	s16 =	sor.u32 s16, s28;
	v0 =	vld [tilespmem:s2+$0x10010];
	(pc) =	sbr.rel @p0 .LBB2_9-.Ltmp3, $4  }
0x8d: {  	s25 =	sand.u32 $0x380, s25;
	s16 =	sor.u32 s23, s16;
	s23 =	smov.u32 s2  }
0x8e: {  	s9 =	sadd.s32 $0x1, s9;
	s16 =	sor.u32 s25, s16;
	v2 =	vmov v1  }
0x8f: {  	s2 =	smov.u32 s13;
	s25 =	sor.u32 $0xC000, s13;
	v1 =	vld [tilespmem:s16+$0x10000];
	s13 =	smov.u32 s16  }
0x90: {  	s10 =	sadd.s32 $0x20, s10;
	s18 =	sadd.s32 $0x100, s18;
	s23 =	sor.u32 $0xC010, s23;
	[tilespmem:s25+$0x0] =	vst.add.f32.msk $0xffff, v2  }
0x91: {  	_ =	sdelay $0x1  }
0x92: {  	v2 =	vld [tilespmem:s2+$0x10010];
	s9 =	sor.u32 $0xC000, s13  }
0x93: {  	[tilespmem:s9+$0x0] =	vst.add.f32.msk $0xffff, v1  }
0x94: {  	v1 =	vld [tilespmem:s13+$0x10010];
	_ =	sdelay $0x2  }
0x95: {  	[tilespmem:s23+$0x0] =	vst.add.f32.msk $0xffff, v0;
	s9 =	sor.u32 $0xC010, s2  }
0x96: {  	s10 =	sor.u32 $0xC010, s13;
	[tilespmem:s9+$0x0] =	vst.add.f32.msk $0xffff, v2  }
0x97: {  	s13 =	sadd.s32 s3, s31;
	[tilespmem:s10+$0x0] =	vst.add.f32.msk $0xffff, v1  }
0x98: {  	[hbm4b:s13+s5] =	stream.linear.scatter [tilespmem:s21], [sflag:$0x8], $0x4000, $0x38;
	[tilespmem:$0x18000] =	vst v63  }
0x99: {  	p0 =	seq.s32 s0, $0x7;
	s2 =	rddreg [dreg:$0x7]  }
0x9a: {  	s2 =	sadd.s32 @!p0 s14, s2  }
0x9b: {  	s9 =	simm.s32 @!p0 $0x0;
	s2 =	sshll.u32 @!p0 s2, $0x7  }
0x9c: {  	s10 =	simm.s32 @!p0 $0x10000;
	s14 =	simm.s32 $0xA;
	s2 =	sadd.s32 @!p0 s29, s2  }
0x9d: {  	[tilespmem:s10], [sflag:$0x9] =	stream.linear.gather @!p0 [hbm4b:s2+s9], $0x4000, $0x38;
	[tilespmem:$0x18000] =	vst v63  }
0x9e: {  	s28 =	smov.u32 s29;
	_ =	swait.ge [sflag:s14], $0x4000  }
0x9f: {  	s16 =	simm.s32 $0x7;
	s23 =	simm.s32 $0x0;
	[sflag:s14] =	ssyncset.done $0x0  }
0xa0: {  	s18 =	sor.u32 s11, s15;
	s25 =	sand.u32 $0x60, s23;
	[sflag:s14] =	ssyncadd.s32 $0xFFFFC000  }
0xa1: {  	s31 =	simm.s32 $0x0;
	s29 =	simm.s32 $0x0;
	_ =	swait.ge [sflag:s16], $0x4000  }
0xa2: {  	s9 =	sand.u32 $0x1C00, s23;
	s14 =	sshll.u32 s18, $0x7;
	[sflag:s16] =	ssyncset.done $0x0  }
0xa3: {  	s10 =	sand.u32 $0x2000, s29;
	s2 =	sadd.s32 s1, s14;
	[sflag:s16] =	ssyncadd.s32 $0xFFFFC000  }
0xa4: {  	[tilespmem:s19], [sflag:$0x3] =	stream.linear.gather [hbm4b:s2+s23], $0x4000, $0x38;
	[tilespmem:$0x18000] =	vst v63  }
0xa5: {  	s18 =	simm.s32 $0x20;
	s2 =	sor.u32 s25, s9;
	_ =	swait.ge [sflag:s20], $0x4000  }
0xa6: {  	s16 =	sand.u32 $0x380, s31;
	s2 =	sor.u32 s10, s2;
	[sflag:s20] =	ssyncset.done $0x0  }
0xa7: {  	s23 =	simm.s32 $0x100;
	s16 =	sor.u32 s16, s2;
	[sflag:s20] =	ssyncadd.s32 $0xFFFFC000  }
0xa8: {  	s25 =	simm.s32 $0x20;
	s9 =	sand.u32 $0x1C00, s23;
	s2 =	sand.u32 $0x60, s18;
	v2 =	vld [tilespmem:s16+$0x14000]  }
0xa9: {  	s29 =	simm.s32 $0x4;
	s10 =	sand.u32 $0x2000, s25;
	s2 =	sor.u32 s2, s9  }
0xaa: {  	s31 =	sand.u32 $0x380, s29;
	s2 =	sor.u32 s10, s2;
	v1 =	vld [tilespmem:s16+$0x14010]  }
0xab: {  	s2 =	sor.u32 s31, s2  }
0xac: {  	s13 =	simm.s32 $0x200;
	v0 =	vld [tilespmem:s2+$0x14000]  }
0xad: {  	s9 =	simm.s32 $0x2;
	s18 =	sor.u32 $0x10, s16;
	s10 =	simm.s32 $0x40;
	[tilespmem:s16+$0x0] =	vst.add.f32.msk $0xffff, v2  }
.LBB2_11:
0xae: {  	s16 =	sand.u32 $0x60, s10;
	s23 =	sshll.u32 s9, $0x5  }
0xaf: {  	s25 =	sand.u32 $0x1C00, s13;
	[tilespmem:s18+$0x0] =	vst.add.f32.msk $0xffff, v1;
	p1 =	sne.s32 s9, $0x1FF;
	s18 =	sand.u32 $0x2000, s23  }
.Ltmp4:
0xb0: {  	s23 =	sshll.u32 s9, $0x2;
	s16 =	sor.u32 s16, s25;
	v1 =	vld [tilespmem:s2+$0x14010];
	(pc) =	sbr.rel @p1 .LBB2_11-.Ltmp4, $4  }
0xb1: {  	s23 =	sand.u32 $0x380, s23;
	s16 =	sor.u32 s18, s16;
	s18 =	smov.u32 s2  }
0xb2: {  	s9 =	sadd.s32 $0x1, s9;
	s2 =	sor.u32 s23, s16;
	v2 =	vmov v0  }
0xb3: {  	v0 =	vld [tilespmem:s2+$0x14000]  }
0xb4: {  	s10 =	sadd.s32 $0x20, s10;
	s13 =	sadd.s32 $0x100, s13;
	[tilespmem:s18+$0x0] =	vst.add.f32.msk $0xffff, v2;
	s18 =	sor.u32 $0x10, s18  }
0xb5: {  	v2 =	vld [tilespmem:s2+$0x14010];
	_ =	sdelay $0x2  }
0xb6: {  	[tilespmem:s18+$0x0] =	vst.add.f32.msk $0xffff, v1  }
0xb7: {  	s23 =	sor.u32 $0x10, s2;
	[tilespmem:s2+$0x0] =	vst.add.f32.msk $0xffff, v0  }
0xb8: {  	s25 =	sadd.s32 s3, s8;
	s9 =	simm.s32 $0x0;
	[tilespmem:s23+$0x0] =	vst.add.f32.msk $0xffff, v2  }
0xb9: {  	[hbm4b:s25+s9] =	stream.linear.scatter [tilespmem:s9], [sflag:$0x5], $0x4000, $0x38;
	[tilespmem:$0x18000] =	vst v63  }
0xba: {  	s29 =	sor.u32 s12, s15;
	_ =	swait.ge [sflag:s30], $0x4000  }
0xbb: {  	s10 =	simm.s32 $0x0;
	s8 =	sshll.u32 s29, $0x7;
	[sflag:s30] =	ssyncset.done $0x0  }
0xbc: {  	s13 =	simm.s32 $0x0;
	s2 =	sadd.s32 s1, s8;
	[sflag:s30] =	ssyncadd.s32 $0xFFFFC000  }
0xbd: {  	[tilespmem:s21], [sflag:$0x4] =	stream.linear.gather [hbm4b:s2+s9], $0x4000, $0x38;
	[tilespmem:$0x18000] =	vst v63  }
0xbe: {  	s15 =	simm.s32 $0x20;
	s31 =	sand.u32 $0x60, s9;
	s9 =	sand.u32 $0x1C00, s9  }
0xbf: {  	s10 =	sand.u32 $0x2000, s10;
	_ =	swait.ge [sflag:s22], $0x4000;
	s2 =	sor.u32 s31, s9  }
0xc0: {  	s13 =	sand.u32 $0x380, s13;
	[sflag:s22] =	ssyncset.done $0x0;
	s2 =	sor.u32 s10, s2  }
0xc1: {  	s18 =	simm.s32 $0x100;
	[sflag:s22] =	ssyncadd.s32 $0xFFFFC000;
	s16 =	sor.u32 s13, s2  }
0xc2: {  	s23 =	simm.s32 $0x20;
	s9 =	sand.u32 $0x1C00, s18;
	s2 =	sand.u32 $0x60, s15;
	v0 =	vld [tilespmem:s16+$0x14000]  }
0xc3: {  	s25 =	simm.s32 $0x4;
	s10 =	sand.u32 $0x2000, s23;
	s2 =	sor.u32 s2, s9  }
0xc4: {  	s29 =	sand.u32 $0x380, s25;
	s18 =	simm.s32 $0x200;
	s2 =	sor.u32 s10, s2  }
0xc5: {  	s23 =	simm.s32 $0x40;
	s15 =	simm.s32 $0x40;
	s2 =	sor.u32 s29, s2  }
0xc6: {  	s13 =	sand.u32 $0x1C00, s18;
	s31 =	sor.u32 $0x4000, s16;
	s10 =	sand.u32 $0x60, s15;
	v2 =	vld [tilespmem:s2+$0x14000]  }
0xc7: {  	s25 =	simm.s32 $0x8;
	s15 =	sand.u32 $0x2000, s23;
	s10 =	sor.u32 s10, s13;
	[tilespmem:s31+$0x0] =	vst.add.f32.msk $0xffff, v0  }
0xc8: {  	s29 =	sand.u32 $0x380, s25;
	s10 =	sor.u32 s15, s10;
	v0 =	vld [tilespmem:s16+$0x14010]  }
0xc9: {  	s13 =	sor.u32 s29, s10  }
0xca: {  	s9 =	simm.s32 $0x3;
	v1 =	vld [tilespmem:s13+$0x14000];
	s31 =	sor.u32 $0x4000, s2  }
0xcb: {  	s18 =	sor.u32 $0x4010, s16;
	s15 =	simm.s32 $0x300;
	s10 =	simm.s32 $0x60;
	[tilespmem:s31+$0x0] =	vst.add.f32.msk $0xffff, v2  }
.LBB2_13:
0xcc: {  	s16 =	sand.u32 $0x60, s10;
	s23 =	sshll.u32 s9, $0x5  }
0xcd: {  	s25 =	sand.u32 $0x1C00, s15;
	[tilespmem:s18+$0x0] =	vst.add.f32.msk $0xffff, v0;
	p1 =	sne.s32 s9, $0x1FF;
	s18 =	sand.u32 $0x2000, s23  }
.Ltmp5:
0xce: {  	s23 =	sshll.u32 s9, $0x2;
	s16 =	sor.u32 s16, s25;
	v0 =	vld [tilespmem:s2+$0x14010];
	(pc) =	sbr.rel @p1 .LBB2_13-.Ltmp5, $4  }
0xcf: {  	s23 =	sand.u32 $0x380, s23;
	s16 =	sor.u32 s18, s16;
	s18 =	smov.u32 s2  }
0xd0: {  	s9 =	sadd.s32 $0x1, s9;
	s16 =	sor.u32 s23, s16;
	v2 =	vmov v1  }
0xd1: {  	s2 =	smov.u32 s13;
	s23 =	sor.u32 $0x4000, s13;
	v1 =	vld [tilespmem:s16+$0x14000];
	s13 =	smov.u32 s16  }
0xd2: {  	s10 =	sadd.s32 $0x20, s10;
	s15 =	sadd.s32 $0x100, s15;
	s18 =	sor.u32 $0x4010, s18;
	[tilespmem:s23+$0x0] =	vst.add.f32.msk $0xffff, v2  }
0xd3: {  	_ =	sdelay $0x1  }
0xd4: {  	v2 =	vld [tilespmem:s2+$0x14010];
	s9 =	sor.u32 $0x4000, s13  }
0xd5: {  	[tilespmem:s9+$0x0] =	vst.add.f32.msk $0xffff, v1  }
0xd6: {  	v1 =	vld [tilespmem:s13+$0x14010];
	_ =	sdelay $0x2  }
0xd7: {  	[tilespmem:s18+$0x0] =	vst.add.f32.msk $0xffff, v0;
	s31 =	sor.u32 $0x4010, s2  }
0xd8: {  	s9 =	sor.u32 $0x4010, s13;
	[tilespmem:s31+$0x0] =	vst.add.f32.msk $0xffff, v2  }
0xd9: {  	s10 =	sadd.s32 s3, s17;
	s2 =	simm.s32 @!p0 $0x5;
	s13 =	simm.s32 $0x4000;
	[tilespmem:s9+$0x0] =	vst.add.f32.msk $0xffff, v1  }
0xda: {  	[hbm4b:s10+s5] =	stream.linear.scatter [tilespmem:s13], [sflag:$0x6], $0x4000, $0x38;
	[tilespmem:$0x18000] =	vst v63  }
0xdb: {  	s4 =	sadd.s32 $0x2, s4;
	_ =	swait.ge @!p0 [sflag:s2], $0x4000  }
0xdc: {  	s15 =	simm.s32 $0x0;
	s17 =	simm.s32 $0x0;
	[sflag:s2] =	ssyncset.done @!p0 $0x0  }
0xdd: {  	s4 =	sshll.u32 @!p0 s4, $0xB;
	[sflag:s2] =	ssyncadd.s32 @!p0 $0xFFFFC000;
	s2 =	rddreg [dreg:$0x5]  }
0xde: {  	s23 =	simm.s32 $0x20;
	s9 =	simm.s32 @!p0 $0x0;
	s2 =	sadd.s32 @!p0 s4, s2  }
0xdf: {  	[tilespmem:s9], [sflag:$0x1] =	stream.linear.gather @!p0 [hbm4b:s2+s9], $0x4000, $0x38;
	[tilespmem:$0x18000] =	vst v63  }
0xe0: {  	s16 =	sand.u32 $0x60, s15;
	s10 =	simm.s32 $0x0;
	s2 =	sand.u32 $0x1C00, s15  }
0xe1: {  	s10 =	sand.u32 $0x2000, s10;
	_ =	swait.ge [sflag:s24], $0x4000;
	s2 =	sor.u32 s16, s2  }
0xe2: {  	s18 =	sand.u32 $0x380, s17;
	[sflag:s24] =	ssyncset.done $0x0;
	s2 =	sor.u32 s10, s2  }
0xe3: {  	s25 =	simm.s32 $0x100;
	[sflag:s24] =	ssyncadd.s32 $0xFFFFC000;
	s16 =	sor.u32 s18, s2  }
0xe4: {  	s29 =	simm.s32 $0x20;
	s9 =	sand.u32 $0x1C00, s25;
	s2 =	sand.u32 $0x60, s23;
	v0 =	vld [tilespmem:s16+$0x14000]  }
0xe5: {  	s31 =	simm.s32 $0x4;
	s10 =	sand.u32 $0x2000, s29;
	s2 =	sor.u32 s2, s9  }
0xe6: {  	s15 =	sand.u32 $0x380, s31;
	s18 =	simm.s32 $0x40;
	s2 =	sor.u32 s10, s2  }
0xe7: {  	s23 =	simm.s32 $0x200;
	s17 =	sor.u32 $0x8000, s16;
	s2 =	sor.u32 s15, s2  }
0xe8: {  	s13 =	sand.u32 $0x1C00, s23;
	s10 =	sand.u32 $0x60, s18;
	s15 =	simm.s32 $0x40;
	v2 =	vld [tilespmem:s2+$0x14000]  }
0xe9: {  	s25 =	simm.s32 $0x8;
	s10 =	sor.u32 s10, s13;
	s15 =	sand.u32 $0x2000, s15;
	[tilespmem:s17+$0x0] =	vst.add.f32.msk $0xffff, v0  }
0xea: {  	s29 =	sand.u32 $0x380, s25;
	s10 =	sor.u32 s15, s10;
	v0 =	vld [tilespmem:s16+$0x14010]  }
0xeb: {  	s13 =	sor.u32 s29, s10  }
0xec: {  	s9 =	simm.s32 $0x3;
	s31 =	sor.u32 $0x8000, s2;
	v1 =	vld [tilespmem:s13+$0x14000]  }
0xed: {  	s15 =	simm.s32 $0x300;
	s10 =	simm.s32 $0x60;
	s17 =	sor.u32 $0x8010, s16;
	[tilespmem:s31+$0x0] =	vst.add.f32.msk $0xffff, v2  }
.LBB2_15:
0xee: {  	s16 =	sand.u32 $0x60, s10;
	s18 =	sshll.u32 s9, $0x5  }
0xef: {  	s23 =	sand.u32 $0x1C00, s15;
	[tilespmem:s17+$0x0] =	vst.add.f32.msk $0xffff, v0;
	p1 =	sne.s32 s9, $0x1FF;
	s17 =	sand.u32 $0x2000, s18  }
.Ltmp6:
0xf0: {  	s18 =	sshll.u32 s9, $0x2;
	s16 =	sor.u32 s16, s23;
	v0 =	vld [tilespmem:s2+$0x14010];
	(pc) =	sbr.rel @p1 .LBB2_15-.Ltmp6, $4  }
0xf1: {  	s18 =	sand.u32 $0x380, s18;
	s16 =	sor.u32 s17, s16;
	s17 =	smov.u32 s2  }
0xf2: {  	s9 =	sadd.s32 $0x1, s9;
	s16 =	sor.u32 s18, s16;
	v2 =	vmov v1  }
0xf3: {  	s2 =	smov.u32 s13;
	s18 =	sor.u32 $0x8000, s13;
	v1 =	vld [tilespmem:s16+$0x14000];
	s13 =	smov.u32 s16  }
0xf4: {  	s10 =	sadd.s32 $0x20, s10;
	s15 =	sadd.s32 $0x100, s15;
	s17 =	sor.u32 $0x8010, s17;
	[tilespmem:s18+$0x0] =	vst.add.f32.msk $0xffff, v2  }
0xf5: {  	_ =	sdelay $0x1  }
0xf6: {  	v2 =	vld [tilespmem:s2+$0x14010];
	s9 =	sor.u32 $0x8000, s13  }
0xf7: {  	[tilespmem:s9+$0x0] =	vst.add.f32.msk $0xffff, v1  }
0xf8: {  	v1 =	vld [tilespmem:s13+$0x14010];
	_ =	sdelay $0x2  }
0xf9: {  	[tilespmem:s17+$0x0] =	vst.add.f32.msk $0xffff, v0;
	s16 =	sor.u32 $0x8010, s2  }
0xfa: {  	s17 =	sor.u32 $0x8010, s13;
	[tilespmem:s16+$0x0] =	vst.add.f32.msk $0xffff, v2  }
0xfb: {  	s18 =	sadd.s32 s3, s14;
	s2 =	simm.s32 @!p0 $0x6;
	[tilespmem:s17+$0x0] =	vst.add.f32.msk $0xffff, v1  }
0xfc: {  	[hbm4b:s18+s5] =	stream.linear.scatter [tilespmem:s19], [sflag:$0x7], $0x4000, $0x38;
	[tilespmem:$0x18000] =	vst v63  }
0xfd: {  	_ =	swait.ge @!p0 [sflag:s2], $0x4000  }
0xfe: {  	s23 =	simm.s32 $0x0;
	s29 =	simm.s32 $0x0;
	[sflag:s2] =	ssyncset.done @!p0 $0x0  }
0xff: {  	s10 =	simm.s32 $0x0;
	[sflag:s2] =	ssyncadd.s32 @!p0 $0xFFFFC000;
	s2 =	rddreg [dreg:$0x6]  }
0x100: {  	s9 =	simm.s32 @!p0 $0x4000;
	s2 =	sadd.s32 @!p0 s4, s2;
	s4 =	simm.s32 @!p0 $0x0  }
0x101: {  	[tilespmem:s9], [sflag:$0x2] =	stream.linear.gather @!p0 [hbm4b:s2+s4], $0x4000, $0x38;
	[tilespmem:$0x18000] =	vst v63  }
0x102: {  	s25 =	sand.u32 $0x60, s23;
	s31 =	sand.u32 $0x380, s10;
	s2 =	sand.u32 $0x1C00, s23  }
0x103: {  	s9 =	sand.u32 $0x2000, s29;
	_ =	swait.ge [sflag:s26], $0x4000;
	s2 =	sor.u32 s25, s2  }
0x104: {  	s10 =	simm.s32 $0x100;
	[sflag:s26] =	ssyncset.done $0x0;
	s2 =	sor.u32 s9, s2  }
0x105: {  	s9 =	simm.s32 $0x20;
	[sflag:s26] =	ssyncadd.s32 $0xFFFFC000;
	s14 =	sor.u32 s31, s2  }
0x106: {  	s13 =	simm.s32 $0x20;
	s4 =	sand.u32 $0x1C00, s10;
	s2 =	sand.u32 $0x60, s9;
	v0 =	vld [tilespmem:s14+$0x14000]  }
0x107: {  	s15 =	simm.s32 $0x4;
	s9 =	sand.u32 $0x2000, s13;
	s2 =	sor.u32 s2, s4  }
0x108: {  	s16 =	sand.u32 $0x380, s15;
	s18 =	simm.s32 $0x40;
	s2 =	sor.u32 s9, s2  }
0x109: {  	s23 =	simm.s32 $0x200;
	s25 =	simm.s32 $0x40;
	s2 =	sor.u32 s16, s2  }
0x10a: {  	s10 =	sand.u32 $0x1C00, s23;
	s17 =	sor.u32 $0xC000, s14;
	s9 =	sand.u32 $0x60, s18;
	v2 =	vld [tilespmem:s2+$0x14000]  }
0x10b: {  	s15 =	simm.s32 $0x8;
	s13 =	sand.u32 $0x2000, s25;
	s9 =	sor.u32 s9, s10;
	[tilespmem:s17+$0x0] =	vst.add.f32.msk $0xffff, v0  }
0x10c: {  	s29 =	sand.u32 $0x380, s15;
	s9 =	sor.u32 s13, s9;
	v0 =	vld [tilespmem:s14+$0x14010]  }
0x10d: {  	s4 =	sor.u32 s29, s9  }
0x10e: {  	s10 =	simm.s32 $0x60;
	s31 =	sor.u32 $0xC000, s2;
	v1 =	vld [tilespmem:s4+$0x14000]  }
0x10f: {  	s13 =	simm.s32 $0x300;
	s9 =	simm.s32 $0x3;
	s14 =	sor.u32 $0xC010, s14;
	[tilespmem:s31+$0x0] =	vst.add.f32.msk $0xffff, v2  }
.LBB2_17:
0x110: {  	s15 =	sand.u32 $0x60, s10;
	s16 =	sshll.u32 s9, $0x5  }
0x111: {  	s17 =	sand.u32 $0x1C00, s13;
	[tilespmem:s14+$0x0] =	vst.add.f32.msk $0xffff, v0;
	p0 =	sne.s32 s9, $0x1FF;
	s14 =	sand.u32 $0x2000, s16  }
.Ltmp7:
0x112: {  	s16 =	sshll.u32 s9, $0x2;
	s15 =	sor.u32 s15, s17;
	v0 =	vld [tilespmem:s2+$0x14010];
	(pc) =	sbr.rel @p0 .LBB2_17-.Ltmp7, $4  }
0x113: {  	s16 =	sand.u32 $0x380, s16;
	s14 =	sor.u32 s14, s15;
	s15 =	smov.u32 s2  }
0x114: {  	s9 =	sadd.s32 $0x1, s9;
	s14 =	sor.u32 s16, s14;
	v2 =	vmov v1  }
0x115: {  	s2 =	smov.u32 s4;
	s16 =	sor.u32 $0xC000, s4;
	v1 =	vld [tilespmem:s14+$0x14000];
	s4 =	smov.u32 s14  }
0x116: {  	s10 =	sadd.s32 $0x20, s10;
	s13 =	sadd.s32 $0x100, s13;
	s14 =	sor.u32 $0xC010, s15;
	[tilespmem:s16+$0x0] =	vst.add.f32.msk $0xffff, v2  }
0x117: {  	_ =	sdelay $0x1  }
0x118: {  	v2 =	vld [tilespmem:s2+$0x14010];
	s9 =	sor.u32 $0xC000, s4  }
0x119: {  	[tilespmem:s9+$0x0] =	vst.add.f32.msk $0xffff, v1  }
0x11a: {  	s0 =	sadd.s32 $0x1, s0;
	v1 =	vld [tilespmem:s4+$0x14010]  }
0x11b: {  	p0 =	sne.s32 s0, $0x8  }
.Ltmp8:
0x11c: {  	_ = 	snop;
	(pc) =	sbr.rel @p0 .LBB2_2-.Ltmp8, $4  }
0x11d: {  	[tilespmem:s14+$0x0] =	vst.add.f32.msk $0xffff, v0;
	s25 =	sor.u32 $0xC010, s2  }
0x11e: {  	s29 =	sor.u32 $0xC010, s4;
	[tilespmem:s25+$0x0] =	vst.add.f32.msk $0xffff, v2  }
0x11f: {  	s31 =	sadd.s32 s3, s8;
	[tilespmem:s29+$0x0] =	vst.add.f32.msk $0xffff, v1  }
0x120: {  	[hbm4b:s31+s5] =	stream.linear.scatter [tilespmem:s21], [sflag:$0x8], $0x4000, $0x38;
	[tilespmem:$0x18000] =	vst v63  }
0x121: {  	s0 =	simm.s32 $0x7  }
0x122: {  	_ =	swait.ge [sflag:s0], $0x4000  }
0x123: {  	[sflag:s0] =	ssyncset.done $0x0  }
0x124: {  	[sflag:s0] =	ssyncadd.s32 $0xFFFFC000  }
0x125: {  	_ =	swait.ge [sflag:s30], $0x4000  }
0x126: {  	s2 =	rddreg [dreg:$0x9]  }
0x127: {  	s31 =	rddreg [dreg:$0x8];
	s2 =	sadd.s32 $0x1, s2  }
0x128: {  	p0 =	sne.s32 s2, s31  }
.Ltmp9:
0x129: {  	_ = 	snop;
	(pc) =	sbr.rel @p0 .LBB2_1-.Ltmp9, $3  }
0x12a: {  	_ =	sdelay $0x1  }
0x12b: {  	[sflag:s30] =	ssyncset.done $0x0  }
0x12c: {  	[sflag:s30] =	ssyncadd.s32 $0xFFFFC000  }
0x12d: {  	_ =	sfence.sel $0x180000  }
0x12e: {  	[bflag:$0x0] =	sbarrier.arrive $0xFFFF  }
0x12f: {  	_ =	strace $0x90000047  }
0x130: {  	s0 =	stileid.u32;
	[bflag:$0x2] =	sbarrier.arrive $0xFFFF  }
0x131: {  	p0 =	sne.s32 s0, $0x0;
	s0 =	rddreg [dreg:$0x3]  }
0x132: {  	s0 =	sadd.s32 @!p0 $0x100000, s0  }
0x133: {  	[sflag:s0] =	ssyncadd.tile.s32 @!p0 $0x1;
	_ =	shalt  }
.Lfunc_end2:
_tile_overlayer_lowered:
.L_overlay_start_2:
0x134: {  	(tag) =	ssettag $0x2  }
0x135: {  	s0 =	rddreg [dreg:$0x0];
	s2 =	stileid.u32  }
0x136: {  	s1 =	rddreg [dreg:$0x1];
	p0 =	sne.s32 s2, $0x0  }
0x137: {  	s3 =	rddreg [dreg:$0x2];
	[bflag:$0x3] =	sbarrier.arrive $0xFFFF;
	s2 =	simm.s32 @!p0 $0x1C0B  }
0x138: {  	[timem:s3], [sflag:s2] =	dma.local @!p0 [hbm:s0], s1  }
0x139: {  	s0 =	simm.s32 @!p0 $0xB  }
0x13a: {  	_ =	swait.ge @!p0 [sflag:s0], s1  }
0x13b: {  	s1 =	ssub.s32 @!p0 $0x0, s1;
	[sflag:s0] =	ssyncset.done @!p0 $0x0  }
0x13c: {  	[sflag:s0] =	ssyncadd.s32 @!p0 s1  }
0x13d: {  	[bflag:$0x3] =	sbarrier.arrive $0xFFFF  }
0x13e: {  	_ =	shalt  }

</sc_bundles>
